<compile_context>
chip_gen: v7x
topology: tpu7x:2x2x1
jax: 0.10.2.dev20260603
libtpu: 0.0.44.dev20260713+nightly
codegen_flags: <defaults>
</compile_context>

<pallas_src>
import functools
import math

import jax
import jax.numpy as jnp
from jax import lax
from jax.experimental import pallas as pl
from jax.experimental.pallas import tpu as pltpu
from jax.experimental.pallas import tpu_sc as plsc

_C = 1000
_CP = 1024
_BETA = 0.9999
_BATCH = 16384
_R = 1024


def _nll_kernel(x_ref, t_ref, nll_ref):
    g = pl.program_id(0)
    x = x_ref[...]
    t = t_ref[g, 0, :]

    s = jnp.sum(jnp.exp(x), axis=1)
    lane = jax.lax.broadcasted_iota(jnp.int32, x.shape, 1)
    tgt = jnp.sum(jnp.where(lane == t[:, None], x, 0.0), axis=1)
    nll_ref[...] = (jnp.log(s) - tgt).reshape(_R // 128, 128)


def _sc_finish(t_hbm, nll_hbm, out_hbm, t_v, nll_v, ones_v, z_v,
               counts_sh, s_sh, counts_l, s_l, out_v):
    sid = lax.axis_index("s")
    rows_per_tile = 8

    @pl.when(sid == 0)
    def _zero_shared():
        for k in range(_CP // 16):
            z_v[pl.ds(k * 16, 16)] = jnp.zeros((16,), jnp.float32)
        pltpu.sync_copy(z_v, counts_sh)
        pltpu.sync_copy(z_v, s_sh)

    for k in range(8):
        ones_v[pl.ds(k * 16, 16)] = jnp.ones((16,), jnp.float32)
    base = sid * rows_per_tile
    pltpu.sync_copy(t_hbm.at[pl.ds(base, rows_per_tile)], t_v)
    pltpu.sync_copy(nll_hbm.at[pl.ds(base, rows_per_tile)], nll_v)

    plsc.subcore_barrier()

    for j in range(rows_per_tile):
        idx = t_v.at[j]
        pltpu.sync_copy(ones_v, counts_sh.at[idx], add=True)
        pltpu.sync_copy(nll_v.at[j], s_sh.at[idx], add=True)

    plsc.subcore_barrier()

    @pl.when(sid == 0)
    def _finish():
        pltpu.sync_copy(counts_sh, counts_l)
        pltpu.sync_copy(s_sh, s_l)
        log_beta = jnp.float32(math.log(_BETA))
        one = jnp.float32(1.0)

        def body(k, carry):
            num16, den16 = carry
            off = pl.multiple_of(k * 16, 16)
            c16 = counts_l[pl.ds(off, 16)]
            s16 = s_l[pl.ds(off, 16)]
            safe = jnp.maximum(c16, 1.0)
            w = (one - _BETA) / (one - jnp.exp(safe * log_beta))
            return num16 + w * s16, den16 + w * c16

        z16 = jnp.zeros((16,), jnp.float32)
        num16, den16 = lax.fori_loop(0, _CP // 16, body, (z16, z16))

        lane = lax.iota(jnp.int32, 16)
        for sh in (8, 4, 2, 1):
            rot = (lane + sh) & 15
            num16 = num16 + num16.at[rot].get(mode="promise_in_bounds")
            den16 = den16 + den16.at[rot].get(mode="promise_in_bounds")
        out_v[...] = num16 / den16
        pltpu.sync_copy(out_v, out_hbm)


def kernel(outputs, targets):
    n_steps = _BATCH // _R
    t3 = targets.reshape(n_steps, 1, _R)
    nll = pl.pallas_call(
        _nll_kernel,
        grid=(n_steps,),
        in_specs=[
            pl.BlockSpec((_R, _C), lambda g: (g, 0)),
            pl.BlockSpec((n_steps, 1, _R), lambda g: (0, 0, 0)),
        ],
        out_specs=pl.BlockSpec((_R // 128, 128), lambda g: (g, 0)),
        out_shape=jax.ShapeDtypeStruct((_BATCH // 128, 128), jnp.float32),
        compiler_params=pltpu.CompilerParams(
            dimension_semantics=("arbitrary",)),
    )(outputs, t3)

    t2 = targets.reshape(_BATCH // 128, 128)
    mesh = plsc.VectorSubcoreMesh(
        core_axis_name="c", subcore_axis_name="s", num_cores=1)
    finish = pl.kernel(
        _sc_finish,
        out_type=jax.ShapeDtypeStruct((16,), jnp.float32),
        mesh=mesh,
        scratch_types=[
            pltpu.VMEM((8, 128), jnp.int32),
            pltpu.VMEM((8, 128), jnp.float32),
            pltpu.VMEM((128,), jnp.float32),
            pltpu.VMEM((_CP,), jnp.float32),
            pltpu.VMEM_SHARED((_CP,), jnp.float32),
            pltpu.VMEM_SHARED((_CP,), jnp.float32),
            pltpu.VMEM((_CP,), jnp.float32),
            pltpu.VMEM((_CP,), jnp.float32),
            pltpu.VMEM((16,), jnp.float32),
        ],
    )
    out = finish(t2, nll)
    return out[0]

# --- scband reference (transcript-rebuilt; emitter-appended) ---
"""Pipeline reference for scband-weighted-cross-entropy-loss-82343112999293 (READ-ONLY COPY).

The authoritative reference and input builder live on the scoring server;
editing this copy changes nothing except your own understanding.
"""

import jax, jax.numpy as jnp
import numpy as np

NUM_CLASSES = 1000
BETA = 0.9999
BATCH = 16384


def setup_inputs(seed: int = 0) -> dict:
    key = jax.random.key(seed)
    k1, k2 = jax.random.split(key)
    outputs = jax.random.normal(k1, (BATCH, NUM_CLASSES), dtype=jnp.float32)
    targets = jax.random.randint(k2, (BATCH,), 0, NUM_CLASSES, dtype=jnp.int32)
    return {"outputs": outputs, "targets": targets}


def reference(outputs, targets):
    # class-frequency based weights (Class-Balanced loss style)
    counts = jnp.bincount(targets, length=NUM_CLASSES).astype(jnp.float32)
    counts = jnp.maximum(counts, 1.0)
    effective_num = 1.0 - jnp.power(BETA, counts)
    weights = (1.0 - BETA) / effective_num
    weights = weights / weights.sum() * NUM_CLASSES
    # weighted cross entropy, matching torch F.cross_entropy(weight=w, reduction='mean'):
    # loss = sum_i w[t_i] * nll_i / sum_i w[t_i]
    logp = jax.nn.log_softmax(outputs, axis=-1)
    nll = -jnp.take_along_axis(logp, targets[:, None], axis=1)[:, 0]
    wt = jnp.take(weights, targets, axis=0)
    loss = (wt * nll).sum() / wt.sum()
    return loss

if __name__ == "__main__":
    import jax
    _d = setup_inputs()
    print(jax.jit(kernel)(*tuple(_d.values())))

</pallas_src>

<mosaic_0001>
#map = affine_map<(d0, d1) -> (0, 0)>
#map1 = affine_map<(d0, d1) -> (0)>
module attributes {stable_mosaic.version = 14 : i64} {
  func.func @_sc_finish(%arg0: i32, %arg1: i32, %arg2: memref<128x128xi32, #tpu.memory_space<hbm>>, %arg3: memref<128x128xf32, #tpu.memory_space<hbm>>, %arg4: memref<16xf32, #tpu.memory_space<hbm>>, %arg5: memref<8x128xi32, #tpu.memory_space<vmem>>, %arg6: memref<8x128xf32, #tpu.memory_space<vmem>>, %arg7: memref<128xf32, #tpu.memory_space<vmem>>, %arg8: memref<1024xf32, #tpu.memory_space<vmem>>, %arg9: memref<1024xf32, #tpu.memory_space<vmem_shared>>, %arg10: memref<1024xf32, #tpu.memory_space<vmem_shared>>, %arg11: memref<1024xf32, #tpu.memory_space<vmem>>, %arg12: memref<1024xf32, #tpu.memory_space<vmem>>, %arg13: memref<16xf32, #tpu.memory_space<vmem>>) attributes {dimension_semantics = [#tpu.dimension_semantics<core_parallel>, #tpu.dimension_semantics<subcore_parallel>], iteration_bounds = array<i64: 1, 16>, scalar_prefetch = 0 : i64, scratch_operands = 9 : i64, tpu.core_type = #tpu.core_type<sc_vector_subcore>, window_params = [{transform_indices = #map}, {transform_indices = #map}, {transform_indices = #map1}]} {
    %eq3A = arith.constant 0 : i32
    %eq3A_0 = arith.cmpi eq, %arg1, %eq3A : i32
    %convert_element_type3A = arith.extui %eq3A_0 : i1 to i32
    %cond3A = arith.constant 0 : i32
    %cond3A_1 = arith.cmpi ne, %convert_element_type3A, %cond3A : i32
    scf.if %cond3A_1 {
      %broadcast_in_dim3A_78 = arith.constant 0.000000e+00 : f32
      %broadcast_in_dim3A_79 = vector.broadcast %broadcast_in_dim3A_78 : f32 to vector<16xf32>
      %swap3A_80 = arith.constant 0 : index
      %swap3A_81 = tpu.vector_load %arg8[%swap3A_80] {strides = array<i32>} : memref<1024xf32, #tpu.memory_space<vmem>>, vector<16xf32>,
      %swap3A_82 = vector.shape_cast %swap3A_81 : vector<16xf32> to vector<16xf32>
      %swap3A_83 = vector.shape_cast %broadcast_in_dim3A_79 : vector<16xf32> to vector<16xf32>
      tpu.vector_store %arg8[%swap3A_80], %swap3A_83 {strides = array<i32>} : memref<1024xf32, #tpu.memory_space<vmem>>, vector<16xf32>,
      %broadcast_in_dim3A_84 = arith.constant 0.000000e+00 : f32
      %broadcast_in_dim3A_85 = vector.broadcast %broadcast_in_dim3A_84 : f32 to vector<16xf32>
      %swap3A_86 = arith.constant 16 : index
      %swap3A_87 = tpu.vector_load %arg8[%swap3A_86] {strides = array<i32>} : memref<1024xf32, #tpu.memory_space<vmem>>, vector<16xf32>,
      %swap3A_88 = vector.shape_cast %swap3A_87 : vector<16xf32> to vector<16xf32>
      %swap3A_89 = vector.shape_cast %broadcast_in_dim3A_85 : vector<16xf32> to vector<16xf32>
      tpu.vector_store %arg8[%swap3A_86], %swap3A_89 {strides = array<i32>} : memref<1024xf32, #tpu.memory_space<vmem>>, vector<16xf32>,
      %broadcast_in_dim3A_90 = arith.constant 0.000000e+00 : f32
      %broadcast_in_dim3A_91 = vector.broadcast %broadcast_in_dim3A_90 : f32 to vector<16xf32>
      %swap3A_92 = arith.constant 32 : index
      %swap3A_93 = tpu.vector_load %arg8[%swap3A_92] {strides = array<i32>} : memref<1024xf32, #tpu.memory_space<vmem>>, vector<16xf32>,
      %swap3A_94 = vector.shape_cast %swap3A_93 : vector<16xf32> to vector<16xf32>
      %swap3A_95 = vector.shape_cast %broadcast_in_dim3A_91 : vector<16xf32> to vector<16xf32>
      tpu.vector_store %arg8[%swap3A_92], %swap3A_95 {strides = array<i32>} : memref<1024xf32, #tpu.memory_space<vmem>>, vector<16xf32>,
      %broadcast_in_dim3A_96 = arith.constant 0.000000e+00 : f32
      %broadcast_in_dim3A_97 = vector.broadcast %broadcast_in_dim3A_96 : f32 to vector<16xf32>
      %swap3A_98 = arith.constant 48 : index
      %swap3A_99 = tpu.vector_load %arg8[%swap3A_98] {strides = array<i32>} : memref<1024xf32, #tpu.memory_space<vmem>>, vector<16xf32>,
      %swap3A_100 = vector.shape_cast %swap3A_99 : vector<16xf32> to vector<16xf32>
      %swap3A_101 = vector.shape_cast %broadcast_in_dim3A_97 : vector<16xf32> to vector<16xf32>
      tpu.vector_store %arg8[%swap3A_98], %swap3A_101 {strides = array<i32>} : memref<1024xf32, #tpu.memory_space<vmem>>, vector<16xf32>,
      %broadcast_in_dim3A_102 = arith.constant 0.000000e+00 : f32
      %broadcast_in_dim3A_103 = vector.broadcast %broadcast_in_dim3A_102 : f32 to vector<16xf32>
      %swap3A_104 = arith.constant 64 : index
      %swap3A_105 = tpu.vector_load %arg8[%swap3A_104] {strides = array<i32>} : memref<1024xf32, #tpu.memory_space<vmem>>, vector<16xf32>,
      %swap3A_106 = vector.shape_cast %swap3A_105 : vector<16xf32> to vector<16xf32>
      %swap3A_107 = vector.shape_cast %broadcast_in_dim3A_103 : vector<16xf32> to vector<16xf32>
      tpu.vector_store %arg8[%swap3A_104], %swap3A_107 {strides = array<i32>} : memref<1024xf32, #tpu.memory_space<vmem>>, vector<16xf32>,
      %broadcast_in_dim3A_108 = arith.constant 0.000000e+00 : f32
      %broadcast_in_dim3A_109 = vector.broadcast %broadcast_in_dim3A_108 : f32 to vector<16xf32>
      %swap3A_110 = arith.constant 80 : index
      %swap3A_111 = tpu.vector_load %arg8[%swap3A_110] {strides = array<i32>} : memref<1024xf32, #tpu.memory_space<vmem>>, vector<16xf32>,
      %swap3A_112 = vector.shape_cast %swap3A_111 : vector<16xf32> to vector<16xf32>
      %swap3A_113 = vector.shape_cast %broadcast_in_dim3A_109 : vector<16xf32> to vector<16xf32>
      tpu.vector_store %arg8[%swap3A_110], %swap3A_113 {strides = array<i32>} : memref<1024xf32, #tpu.memory_space<vmem>>, vector<16xf32>,
      %broadcast_in_dim3A_114 = arith.constant 0.000000e+00 : f32
      %broadcast_in_dim3A_115 = vector.broadcast %broadcast_in_dim3A_114 : f32 to vector<16xf32>
      %swap3A_116 = arith.constant 96 : index
      %swap3A_117 = tpu.vector_load %arg8[%swap3A_116] {strides = array<i32>} : memref<1024xf32, #tpu.memory_space<vmem>>, vector<16xf32>,
      %swap3A_118 = vector.shape_cast %swap3A_117 : vector<16xf32> to vector<16xf32>
      %swap3A_119 = vector.shape_cast %broadcast_in_dim3A_115 : vector<16xf32> to vector<16xf32>
      tpu.vector_store %arg8[%swap3A_116], %swap3A_119 {strides = array<i32>} : memref<1024xf32, #tpu.memory_space<vmem>>, vector<16xf32>,
      %broadcast_in_dim3A_120 = arith.constant 0.000000e+00 : f32
      %broadcast_in_dim3A_121 = vector.broadcast %broadcast_in_dim3A_120 : f32 to vector<16xf32>
      %swap3A_122 = arith.constant 112 : index
      %swap3A_123 = tpu.vector_load %arg8[%swap3A_122] {strides = array<i32>} : memref<1024xf32, #tpu.memory_space<vmem>>, vector<16xf32>,
      %swap3A_124 = vector.shape_cast %swap3A_123 : vector<16xf32> to vector<16xf32>
      %swap3A_125 = vector.shape_cast %broadcast_in_dim3A_121 : vector<16xf32> to vector<16xf32>
      tpu.vector_store %arg8[%swap3A_122], %swap3A_125 {strides = array<i32>} : memref<1024xf32, #tpu.memory_space<vmem>>, vector<16xf32>,
      %broadcast_in_dim3A_126 = arith.constant 0.000000e+00 : f32
      %broadcast_in_dim3A_127 = vector.broadcast %broadcast_in_dim3A_126 : f32 to vector<16xf32>
      %swap3A_128 = arith.constant 128 : index
      %swap3A_129 = tpu.vector_load %arg8[%swap3A_128] {strides = array<i32>} : memref<1024xf32, #tpu.memory_space<vmem>>, vector<16xf32>,
      %swap3A_130 = vector.shape_cast %swap3A_129 : vector<16xf32> to vector<16xf32>
      %swap3A_131 = vector.shape_cast %broadcast_in_dim3A_127 : vector<16xf32> to vector<16xf32>
      tpu.vector_store %arg8[%swap3A_128], %swap3A_131 {strides = array<i32>} : memref<1024xf32, #tpu.memory_space<vmem>>, vector<16xf32>,
      %broadcast_in_dim3A_132 = arith.constant 0.000000e+00 : f32
      %broadcast_in_dim3A_133 = vector.broadcast %broadcast_in_dim3A_132 : f32 to vector<16xf32>
      %swap3A_134 = arith.constant 144 : index
      %swap3A_135 = tpu.vector_load %arg8[%swap3A_134] {strides = array<i32>} : memref<1024xf32, #tpu.memory_space<vmem>>, vector<16xf32>,
      %swap3A_136 = vector.shape_cast %swap3A_135 : vector<16xf32> to vector<16xf32>
      %swap3A_137 = vector.shape_cast %broadcast_in_dim3A_133 : vector<16xf32> to vector<16xf32>
      tpu.vector_store %arg8[%swap3A_134], %swap3A_137 {strides = array<i32>} : memref<1024xf32, #tpu.memory_space<vmem>>, vector<16xf32>,
      %broadcast_in_dim3A_138 = arith.constant 0.000000e+00 : f32
      %broadcast_in_dim3A_139 = vector.broadcast %broadcast_in_dim3A_138 : f32 to vector<16xf32>
      %swap3A_140 = arith.constant 160 : index
      %swap3A_141 = tpu.vector_load %arg8[%swap3A_140] {strides = array<i32>} : memref<1024xf32, #tpu.memory_space<vmem>>, vector<16xf32>,
      %swap3A_142 = vector.shape_cast %swap3A_141 : vector<16xf32> to vector<16xf32>
      %swap3A_143 = vector.shape_cast %broadcast_in_dim3A_139 : vector<16xf32> to vector<16xf32>
      tpu.vector_store %arg8[%swap3A_140], %swap3A_143 {strides = array<i32>} : memref<1024xf32, #tpu.memory_space<vmem>>, vector<16xf32>,
      %broadcast_in_dim3A_144 = arith.constant 0.000000e+00 : f32
      %broadcast_in_dim3A_145 = vector.broadcast %broadcast_in_dim3A_144 : f32 to vector<16xf32>
      %swap3A_146 = arith.constant 176 : index
      %swap3A_147 = tpu.vector_load %arg8[%swap3A_146] {strides = array<i32>} : memref<1024xf32, #tpu.memory_space<vmem>>, vector<16xf32>,
      %swap3A_148 = vector.shape_cast %swap3A_147 : vector<16xf32> to vector<16xf32>
      %swap3A_149 = vector.shape_cast %broadcast_in_dim3A_145 : vector<16xf32> to vector<16xf32>
      tpu.vector_store %arg8[%swap3A_146], %swap3A_149 {strides = array<i32>} : memref<1024xf32, #tpu.memory_space<vmem>>, vector<16xf32>,
      %broadcast_in_dim3A_150 = arith.constant 0.000000e+00 : f32
      %broadcast_in_dim3A_151 = vector.broadcast %broadcast_in_dim3A_150 : f32 to vector<16xf32>
      %swap3A_152 = arith.constant 192 : index
      %swap3A_153 = tpu.vector_load %arg8[%swap3A_152] {strides = array<i32>} : memref<1024xf32, #tpu.memory_space<vmem>>, vector<16xf32>,
      %swap3A_154 = vector.shape_cast %swap3A_153 : vector<16xf32> to vector<16xf32>
      %swap3A_155 = vector.shape_cast %broadcast_in_dim3A_151 : vector<16xf32> to vector<16xf32>
      tpu.vector_store %arg8[%swap3A_152], %swap3A_155 {strides = array<i32>} : memref<1024xf32, #tpu.memory_space<vmem>>, vector<16xf32>,
      %broadcast_in_dim3A_156 = arith.constant 0.000000e+00 : f32
      %broadcast_in_dim3A_157 = vector.broadcast %broadcast_in_dim3A_156 : f32 to vector<16xf32>
      %swap3A_158 = arith.constant 208 : index
      %swap3A_159 = tpu.vector_load %arg8[%swap3A_158] {strides = array<i32>} : memref<1024xf32, #tpu.memory_space<vmem>>, vector<16xf32>,
      %swap3A_160 = vector.shape_cast %swap3A_159 : vector<16xf32> to vector<16xf32>
      %swap3A_161 = vector.shape_cast %broadcast_in_dim3A_157 : vector<16xf32> to vector<16xf32>
      tpu.vector_store %arg8[%swap3A_158], %swap3A_161 {strides = array<i32>} : memref<1024xf32, #tpu.memory_space<vmem>>, vector<16xf32>,
      %broadcast_in_dim3A_162 = arith.constant 0.000000e+00 : f32
      %broadcast_in_dim3A_163 = vector.broadcast %broadcast_in_dim3A_162 : f32 to vector<16xf32>
      %swap3A_164 = arith.constant 224 : index
      %swap3A_165 = tpu.vector_load %arg8[%swap3A_164] {strides = array<i32>} : memref<1024xf32, #tpu.memory_space<vmem>>, vector<16xf32>,
      %swap3A_166 = vector.shape_cast %swap3A_165 : vector<16xf32> to vector<16xf32>
      %swap3A_167 = vector.shape_cast %broadcast_in_dim3A_163 : vector<16xf32> to vector<16xf32>
      tpu.vector_store %arg8[%swap3A_164], %swap3A_167 {strides = array<i32>} : memref<1024xf32, #tpu.memory_space<vmem>>, vector<16xf32>,
      %broadcast_in_dim3A_168 = arith.constant 0.000000e+00 : f32
      %broadcast_in_dim3A_169 = vector.broadcast %broadcast_in_dim3A_168 : f32 to vector<16xf32>
      %swap3A_170 = arith.constant 240 : index
      %swap3A_171 = tpu.vector_load %arg8[%swap3A_170] {strides = array<i32>} : memref<1024xf32, #tpu.memory_space<vmem>>, vector<16xf32>,
      %swap3A_172 = vector.shape_cast %swap3A_171 : vector<16xf32> to vector<16xf32>
      %swap3A_173 = vector.shape_cast %broadcast_in_dim3A_169 : vector<16xf32> to vector<16xf32>
      tpu.vector_store %arg8[%swap3A_170], %swap3A_173 {strides = array<i32>} : memref<1024xf32, #tpu.memory_space<vmem>>, vector<16xf32>,
      %broadcast_in_dim3A_174 = arith.constant 0.000000e+00 : f32
      %broadcast_in_dim3A_175 = vector.broadcast %broadcast_in_dim3A_174 : f32 to vector<16xf32>
      %swap3A_176 = arith.constant 256 : index
      %swap3A_177 = tpu.vector_load %arg8[%swap3A_176] {strides = array<i32>} : memref<1024xf32, #tpu.memory_space<vmem>>, vector<16xf32>,
      %swap3A_178 = vector.shape_cast %swap3A_177 : vector<16xf32> to vector<16xf32>
      %swap3A_179 = vector.shape_cast %broadcast_in_dim3A_175 : vector<16xf32> to vector<16xf32>
      tpu.vector_store %arg8[%swap3A_176], %swap3A_179 {strides = array<i32>} : memref<1024xf32, #tpu.memory_space<vmem>>, vector<16xf32>,
      %broadcast_in_dim3A_180 = arith.constant 0.000000e+00 : f32
      %broadcast_in_dim3A_181 = vector.broadcast %broadcast_in_dim3A_180 : f32 to vector<16xf32>
      %swap3A_182 = arith.constant 272 : index
      %swap3A_183 = tpu.vector_load %arg8[%swap3A_182] {strides = array<i32>} : memref<1024xf32, #tpu.memory_space<vmem>>, vector<16xf32>,
      %swap3A_184 = vector.shape_cast %swap3A_183 : vector<16xf32> to vector<16xf32>
      %swap3A_185 = vector.shape_cast %broadcast_in_dim3A_181 : vector<16xf32> to vector<16xf32>
      tpu.vector_store %arg8[%swap3A_182], %swap3A_185 {strides = array<i32>} : memref<1024xf32, #tpu.memory_space<vmem>>, vector<16xf32>,
      %broadcast_in_dim3A_186 = arith.constant 0.000000e+00 : f32
      %broadcast_in_dim3A_187 = vector.broadcast %broadcast_in_dim3A_186 : f32 to vector<16xf32>
      %swap3A_188 = arith.constant 288 : index
      %swap3A_189 = tpu.vector_load %arg8[%swap3A_188] {strides = array<i32>} : memref<1024xf32, #tpu.memory_space<vmem>>, vector<16xf32>,
      %swap3A_190 = vector.shape_cast %swap3A_189 : vector<16xf32> to vector<16xf32>
      %swap3A_191 = vector.shape_cast %broadcast_in_dim3A_187 : vector<16xf32> to vector<16xf32>
      tpu.vector_store %arg8[%swap3A_188], %swap3A_191 {strides = array<i32>} : memref<1024xf32, #tpu.memory_space<vmem>>, vector<16xf32>,
      %broadcast_in_dim3A_192 = arith.constant 0.000000e+00 : f32
      %broadcast_in_dim3A_193 = vector.broadcast %broadcast_in_dim3A_192 : f32 to vector<16xf32>
      %swap3A_194 = arith.constant 304 : index
      %swap3A_195 = tpu.vector_load %arg8[%swap3A_194] {strides = array<i32>} : memref<1024xf32, #tpu.memory_space<vmem>>, vector<16xf32>,
      %swap3A_196 = vector.shape_cast %swap3A_195 : vector<16xf32> to vector<16xf32>
      %swap3A_197 = vector.shape_cast %broadcast_in_dim3A_193 : vector<16xf32> to vector<16xf32>
      tpu.vector_store %arg8[%swap3A_194], %swap3A_197 {strides = array<i32>} : memref<1024xf32, #tpu.memory_space<vmem>>, vector<16xf32>,
      %broadcast_in_dim3A_198 = arith.constant 0.000000e+00 : f32
      %broadcast_in_dim3A_199 = vector.broadcast %broadcast_in_dim3A_198 : f32 to vector<16xf32>
      %swap3A_200 = arith.constant 320 : index
      %swap3A_201 = tpu.vector_load %arg8[%swap3A_200] {strides = array<i32>} : memref<1024xf32, #tpu.memory_space<vmem>>, vector<16xf32>,
      %swap3A_202 = vector.shape_cast %swap3A_201 : vector<16xf32> to vector<16xf32>
      %swap3A_203 = vector.shape_cast %broadcast_in_dim3A_199 : vector<16xf32> to vector<16xf32>
      tpu.vector_store %arg8[%swap3A_200], %swap3A_203 {strides = array<i32>} : memref<1024xf32, #tpu.memory_space<vmem>>, vector<16xf32>,
      %broadcast_in_dim3A_204 = arith.constant 0.000000e+00 : f32
      %broadcast_in_dim3A_205 = vector.broadcast %broadcast_in_dim3A_204 : f32 to vector<16xf32>
      %swap3A_206 = arith.constant 336 : index
      %swap3A_207 = tpu.vector_load %arg8[%swap3A_206] {strides = array<i32>} : memref<1024xf32, #tpu.memory_space<vmem>>, vector<16xf32>,
      %swap3A_208 = vector.shape_cast %swap3A_207 : vector<16xf32> to vector<16xf32>
      %swap3A_209 = vector.shape_cast %broadcast_in_dim3A_205 : vector<16xf32> to vector<16xf32>
      tpu.vector_store %arg8[%swap3A_206], %swap3A_209 {strides = array<i32>} : memref<1024xf32, #tpu.memory_space<vmem>>, vector<16xf32>,
      %broadcast_in_dim3A_210 = arith.constant 0.000000e+00 : f32
      %broadcast_in_dim3A_211 = vector.broadcast %broadcast_in_dim3A_210 : f32 to vector<16xf32>
      %swap3A_212 = arith.constant 352 : index
      %swap3A_213 = tpu.vector_load %arg8[%swap3A_212] {strides = array<i32>} : memref<1024xf32, #tpu.memory_space<vmem>>, vector<16xf32>,
      %swap3A_214 = vector.shape_cast %swap3A_213 : vector<16xf32> to vector<16xf32>
      %swap3A_215 = vector.shape_cast %broadcast_in_dim3A_211 : vector<16xf32> to vector<16xf32>
      tpu.vector_store %arg8[%swap3A_212], %swap3A_215 {strides = array<i32>} : memref<1024xf32, #tpu.memory_space<vmem>>, vector<16xf32>,
      %broadcast_in_dim3A_216 = arith.constant 0.000000e+00 : f32
      %broadcast_in_dim3A_217 = vector.broadcast %broadcast_in_dim3A_216 : f32 to vector<16xf32>
      %swap3A_218 = arith.constant 368 : index
      %swap3A_219 = tpu.vector_load %arg8[%swap3A_218] {strides = array<i32>} : memref<1024xf32, #tpu.memory_space<vmem>>, vector<16xf32>,
      %swap3A_220 = vector.shape_cast %swap3A_219 : vector<16xf32> to vector<16xf32>
      %swap3A_221 = vector.shape_cast %broadcast_in_dim3A_217 : vector<16xf32> to vector<16xf32>
      tpu.vector_store %arg8[%swap3A_218], %swap3A_221 {strides = array<i32>} : memref<1024xf32, #tpu.memory_space<vmem>>, vector<16xf32>,
      %broadcast_in_dim3A_222 = arith.constant 0.000000e+00 : f32
      %broadcast_in_dim3A_223 = vector.broadcast %broadcast_in_dim3A_222 : f32 to vector<16xf32>
      %swap3A_224 = arith.constant 384 : index
      %swap3A_225 = tpu.vector_load %arg8[%swap3A_224] {strides = array<i32>} : memref<1024xf32, #tpu.memory_space<vmem>>, vector<16xf32>,
      %swap3A_226 = vector.shape_cast %swap3A_225 : vector<16xf32> to vector<16xf32>
      %swap3A_227 = vector.shape_cast %broadcast_in_dim3A_223 : vector<16xf32> to vector<16xf32>
      tpu.vector_store %arg8[%swap3A_224], %swap3A_227 {strides = array<i32>} : memref<1024xf32, #tpu.memory_space<vmem>>, vector<16xf32>,
      %broadcast_in_dim3A_228 = arith.constant 0.000000e+00 : f32
      %broadcast_in_dim3A_229 = vector.broadcast %broadcast_in_dim3A_228 : f32 to vector<16xf32>
      %swap3A_230 = arith.constant 400 : index
      %swap3A_231 = tpu.vector_load %arg8[%swap3A_230] {strides = array<i32>} : memref<1024xf32, #tpu.memory_space<vmem>>, vector<16xf32>,
      %swap3A_232 = vector.shape_cast %swap3A_231 : vector<16xf32> to vector<16xf32>
      %swap3A_233 = vector.shape_cast %broadcast_in_dim3A_229 : vector<16xf32> to vector<16xf32>
      tpu.vector_store %arg8[%swap3A_230], %swap3A_233 {strides = array<i32>} : memref<1024xf32, #tpu.memory_space<vmem>>, vector<16xf32>,
      %broadcast_in_dim3A_234 = arith.constant 0.000000e+00 : f32
      %broadcast_in_dim3A_235 = vector.broadcast %broadcast_in_dim3A_234 : f32 to vector<16xf32>
      %swap3A_236 = arith.constant 416 : index
      %swap3A_237 = tpu.vector_load %arg8[%swap3A_236] {strides = array<i32>} : memref<1024xf32, #tpu.memory_space<vmem>>, vector<16xf32>,
      %swap3A_238 = vector.shape_cast %swap3A_237 : vector<16xf32> to vector<16xf32>
      %swap3A_239 = vector.shape_cast %broadcast_in_dim3A_235 : vector<16xf32> to vector<16xf32>
      tpu.vector_store %arg8[%swap3A_236], %swap3A_239 {strides = array<i32>} : memref<1024xf32, #tpu.memory_space<vmem>>, vector<16xf32>,
      %broadcast_in_dim3A_240 = arith.constant 0.000000e+00 : f32
      %broadcast_in_dim3A_241 = vector.broadcast %broadcast_in_dim3A_240 : f32 to vector<16xf32>
      %swap3A_242 = arith.constant 432 : index
      %swap3A_243 = tpu.vector_load %arg8[%swap3A_242] {strides = array<i32>} : memref<1024xf32, #tpu.memory_space<vmem>>, vector<16xf32>,
      %swap3A_244 = vector.shape_cast %swap3A_243 : vector<16xf32> to vector<16xf32>
      %swap3A_245 = vector.shape_cast %broadcast_in_dim3A_241 : vector<16xf32> to vector<16xf32>
      tpu.vector_store %arg8[%swap3A_242], %swap3A_245 {strides = array<i32>} : memref<1024xf32, #tpu.memory_space<vmem>>, vector<16xf32>,
      %broadcast_in_dim3A_246 = arith.constant 0.000000e+00 : f32
      %broadcast_in_dim3A_247 = vector.broadcast %broadcast_in_dim3A_246 : f32 to vector<16xf32>
      %swap3A_248 = arith.constant 448 : index
      %swap3A_249 = tpu.vector_load %arg8[%swap3A_248] {strides = array<i32>} : memref<1024xf32, #tpu.memory_space<vmem>>, vector<16xf32>,
      %swap3A_250 = vector.shape_cast %swap3A_249 : vector<16xf32> to vector<16xf32>
      %swap3A_251 = vector.shape_cast %broadcast_in_dim3A_247 : vector<16xf32> to vector<16xf32>
      tpu.vector_store %arg8[%swap3A_248], %swap3A_251 {strides = array<i32>} : memref<1024xf32, #tpu.memory_space<vmem>>, vector<16xf32>,
      %broadcast_in_dim3A_252 = arith.constant 0.000000e+00 : f32
      %broadcast_in_dim3A_253 = vector.broadcast %broadcast_in_dim3A_252 : f32 to vector<16xf32>
      %swap3A_254 = arith.constant 464 : index
      %swap3A_255 = tpu.vector_load %arg8[%swap3A_254] {strides = array<i32>} : memref<1024xf32, #tpu.memory_space<vmem>>, vector<16xf32>,
      %swap3A_256 = vector.shape_cast %swap3A_255 : vector<16xf32> to vector<16xf32>
      %swap3A_257 = vector.shape_cast %broadcast_in_dim3A_253 : vector<16xf32> to vector<16xf32>
      tpu.vector_store %arg8[%swap3A_254], %swap3A_257 {strides = array<i32>} : memref<1024xf32, #tpu.memory_space<vmem>>, vector<16xf32>,
      %broadcast_in_dim3A_258 = arith.constant 0.000000e+00 : f32
      %broadcast_in_dim3A_259 = vector.broadcast %broadcast_in_dim3A_258 : f32 to vector<16xf32>
      %swap3A_260 = arith.constant 480 : index
      %swap3A_261 = tpu.vector_load %arg8[%swap3A_260] {strides = array<i32>} : memref<1024xf32, #tpu.memory_space<vmem>>, vector<16xf32>,
      %swap3A_262 = vector.shape_cast %swap3A_261 : vector<16xf32> to vector<16xf32>
      %swap3A_263 = vector.shape_cast %broadcast_in_dim3A_259 : vector<16xf32> to vector<16xf32>
      tpu.vector_store %arg8[%swap3A_260], %swap3A_263 {strides = array<i32>} : memref<1024xf32, #tpu.memory_space<vmem>>, vector<16xf32>,
      %broadcast_in_dim3A_264 = arith.constant 0.000000e+00 : f32
      %broadcast_in_dim3A_265 = vector.broadcast %broadcast_in_dim3A_264 : f32 to vector<16xf32>
      %swap3A_266 = arith.constant 496 : index
      %swap3A_267 = tpu.vector_load %arg8[%swap3A_266] {strides = array<i32>} : memref<1024xf32, #tpu.memory_space<vmem>>, vector<16xf32>,
      %swap3A_268 = vector.shape_cast %swap3A_267 : vector<16xf32> to vector<16xf32>
      %swap3A_269 = vector.shape_cast %broadcast_in_dim3A_265 : vector<16xf32> to vector<16xf32>
      tpu.vector_store %arg8[%swap3A_266], %swap3A_269 {strides = array<i32>} : memref<1024xf32, #tpu.memory_space<vmem>>, vector<16xf32>,
      %broadcast_in_dim3A_270 = arith.constant 0.000000e+00 : f32
      %broadcast_in_dim3A_271 = vector.broadcast %broadcast_in_dim3A_270 : f32 to vector<16xf32>
      %swap3A_272 = arith.constant 512 : index
      %swap3A_273 = tpu.vector_load %arg8[%swap3A_272] {strides = array<i32>} : memref<1024xf32, #tpu.memory_space<vmem>>, vector<16xf32>,
      %swap3A_274 = vector.shape_cast %swap3A_273 : vector<16xf32> to vector<16xf32>
      %swap3A_275 = vector.shape_cast %broadcast_in_dim3A_271 : vector<16xf32> to vector<16xf32>
      tpu.vector_store %arg8[%swap3A_272], %swap3A_275 {strides = array<i32>} : memref<1024xf32, #tpu.memory_space<vmem>>, vector<16xf32>,
      %broadcast_in_dim3A_276 = arith.constant 0.000000e+00 : f32
      %broadcast_in_dim3A_277 = vector.broadcast %broadcast_in_dim3A_276 : f32 to vector<16xf32>
      %swap3A_278 = arith.constant 528 : index
      %swap3A_279 = tpu.vector_load %arg8[%swap3A_278] {strides = array<i32>} : memref<1024xf32, #tpu.memory_space<vmem>>, vector<16xf32>,
      %swap3A_280 = vector.shape_cast %swap3A_279 : vector<16xf32> to vector<16xf32>
      %swap3A_281 = vector.shape_cast %broadcast_in_dim3A_277 : vector<16xf32> to vector<16xf32>
      tpu.vector_store %arg8[%swap3A_278], %swap3A_281 {strides = array<i32>} : memref<1024xf32, #tpu.memory_space<vmem>>, vector<16xf32>,
      %broadcast_in_dim3A_282 = arith.constant 0.000000e+00 : f32
      %broadcast_in_dim3A_283 = vector.broadcast %broadcast_in_dim3A_282 : f32 to vector<16xf32>
      %swap3A_284 = arith.constant 544 : index
      %swap3A_285 = tpu.vector_load %arg8[%swap3A_284] {strides = array<i32>} : memref<1024xf32, #tpu.memory_space<vmem>>, vector<16xf32>,
      %swap3A_286 = vector.shape_cast %swap3A_285 : vector<16xf32> to vector<16xf32>
      %swap3A_287 = vector.shape_cast %broadcast_in_dim3A_283 : vector<16xf32> to vector<16xf32>
      tpu.vector_store %arg8[%swap3A_284], %swap3A_287 {strides = array<i32>} : memref<1024xf32, #tpu.memory_space<vmem>>, vector<16xf32>,
      %broadcast_in_dim3A_288 = arith.constant 0.000000e+00 : f32
      %broadcast_in_dim3A_289 = vector.broadcast %broadcast_in_dim3A_288 : f32 to vector<16xf32>
      %swap3A_290 = arith.constant 560 : index
      %swap3A_291 = tpu.vector_load %arg8[%swap3A_290] {strides = array<i32>} : memref<1024xf32, #tpu.memory_space<vmem>>, vector<16xf32>,
      %swap3A_292 = vector.shape_cast %swap3A_291 : vector<16xf32> to vector<16xf32>
      %swap3A_293 = vector.shape_cast %broadcast_in_dim3A_289 : vector<16xf32> to vector<16xf32>
      tpu.vector_store %arg8[%swap3A_290], %swap3A_293 {strides = array<i32>} : memref<1024xf32, #tpu.memory_space<vmem>>, vector<16xf32>,
      %broadcast_in_dim3A_294 = arith.constant 0.000000e+00 : f32
      %broadcast_in_dim3A_295 = vector.broadcast %broadcast_in_dim3A_294 : f32 to vector<16xf32>
      %swap3A_296 = arith.constant 576 : index
      %swap3A_297 = tpu.vector_load %arg8[%swap3A_296] {strides = array<i32>} : memref<1024xf32, #tpu.memory_space<vmem>>, vector<16xf32>,
      %swap3A_298 = vector.shape_cast %swap3A_297 : vector<16xf32> to vector<16xf32>
      %swap3A_299 = vector.shape_cast %broadcast_in_dim3A_295 : vector<16xf32> to vector<16xf32>
      tpu.vector_store %arg8[%swap3A_296], %swap3A_299 {strides = array<i32>} : memref<1024xf32, #tpu.memory_space<vmem>>, vector<16xf32>,
      %broadcast_in_dim3A_300 = arith.constant 0.000000e+00 : f32
      %broadcast_in_dim3A_301 = vector.broadcast %broadcast_in_dim3A_300 : f32 to vector<16xf32>
      %swap3A_302 = arith.constant 592 : index
      %swap3A_303 = tpu.vector_load %arg8[%swap3A_302] {strides = array<i32>} : memref<1024xf32, #tpu.memory_space<vmem>>, vector<16xf32>,
      %swap3A_304 = vector.shape_cast %swap3A_303 : vector<16xf32> to vector<16xf32>
      %swap3A_305 = vector.shape_cast %broadcast_in_dim3A_301 : vector<16xf32> to vector<16xf32>
      tpu.vector_store %arg8[%swap3A_302], %swap3A_305 {strides = array<i32>} : memref<1024xf32, #tpu.memory_space<vmem>>, vector<16xf32>,
      %broadcast_in_dim3A_306 = arith.constant 0.000000e+00 : f32
      %broadcast_in_dim3A_307 = vector.broadcast %broadcast_in_dim3A_306 : f32 to vector<16xf32>
      %swap3A_308 = arith.constant 608 : index
      %swap3A_309 = tpu.vector_load %arg8[%swap3A_308] {strides = array<i32>} : memref<1024xf32, #tpu.memory_space<vmem>>, vector<16xf32>,
      %swap3A_310 = vector.shape_cast %swap3A_309 : vector<16xf32> to vector<16xf32>
      %swap3A_311 = vector.shape_cast %broadcast_in_dim3A_307 : vector<16xf32> to vector<16xf32>
      tpu.vector_store %arg8[%swap3A_308], %swap3A_311 {strides = array<i32>} : memref<1024xf32, #tpu.memory_space<vmem>>, vector<16xf32>,
      %broadcast_in_dim3A_312 = arith.constant 0.000000e+00 : f32
      %broadcast_in_dim3A_313 = vector.broadcast %broadcast_in_dim3A_312 : f32 to vector<16xf32>
      %swap3A_314 = arith.constant 624 : index
      %swap3A_315 = tpu.vector_load %arg8[%swap3A_314] {strides = array<i32>} : memref<1024xf32, #tpu.memory_space<vmem>>, vector<16xf32>,
      %swap3A_316 = vector.shape_cast %swap3A_315 : vector<16xf32> to vector<16xf32>
      %swap3A_317 = vector.shape_cast %broadcast_in_dim3A_313 : vector<16xf32> to vector<16xf32>
      tpu.vector_store %arg8[%swap3A_314], %swap3A_317 {strides = array<i32>} : memref<1024xf32, #tpu.memory_space<vmem>>, vector<16xf32>,
      %broadcast_in_dim3A_318 = arith.constant 0.000000e+00 : f32
      %broadcast_in_dim3A_319 = vector.broadcast %broadcast_in_dim3A_318 : f32 to vector<16xf32>
      %swap3A_320 = arith.constant 640 : index
      %swap3A_321 = tpu.vector_load %arg8[%swap3A_320] {strides = array<i32>} : memref<1024xf32, #tpu.memory_space<vmem>>, vector<16xf32>,
      %swap3A_322 = vector.shape_cast %swap3A_321 : vector<16xf32> to vector<16xf32>
      %swap3A_323 = vector.shape_cast %broadcast_in_dim3A_319 : vector<16xf32> to vector<16xf32>
      tpu.vector_store %arg8[%swap3A_320], %swap3A_323 {strides = array<i32>} : memref<1024xf32, #tpu.memory_space<vmem>>, vector<16xf32>,
      %broadcast_in_dim3A_324 = arith.constant 0.000000e+00 : f32
      %broadcast_in_dim3A_325 = vector.broadcast %broadcast_in_dim3A_324 : f32 to vector<16xf32>
      %swap3A_326 = arith.constant 656 : index
      %swap3A_327 = tpu.vector_load %arg8[%swap3A_326] {strides = array<i32>} : memref<1024xf32, #tpu.memory_space<vmem>>, vector<16xf32>,
      %swap3A_328 = vector.shape_cast %swap3A_327 : vector<16xf32> to vector<16xf32>
      %swap3A_329 = vector.shape_cast %broadcast_in_dim3A_325 : vector<16xf32> to vector<16xf32>
      tpu.vector_store %arg8[%swap3A_326], %swap3A_329 {strides = array<i32>} : memref<1024xf32, #tpu.memory_space<vmem>>, vector<16xf32>,
      %broadcast_in_dim3A_330 = arith.constant 0.000000e+00 : f32
      %broadcast_in_dim3A_331 = vector.broadcast %broadcast_in_dim3A_330 : f32 to vector<16xf32>
      %swap3A_332 = arith.constant 672 : index
      %swap3A_333 = tpu.vector_load %arg8[%swap3A_332] {strides = array<i32>} : memref<1024xf32, #tpu.memory_space<vmem>>, vector<16xf32>,
      %swap3A_334 = vector.shape_cast %swap3A_333 : vector<16xf32> to vector<16xf32>
      %swap3A_335 = vector.shape_cast %broadcast_in_dim3A_331 : vector<16xf32> to vector<16xf32>
      tpu.vector_store %arg8[%swap3A_332], %swap3A_335 {strides = array<i32>} : memref<1024xf32, #tpu.memory_space<vmem>>, vector<16xf32>,
      %broadcast_in_dim3A_336 = arith.constant 0.000000e+00 : f32
      %broadcast_in_dim3A_337 = vector.broadcast %broadcast_in_dim3A_336 : f32 to vector<16xf32>
      %swap3A_338 = arith.constant 688 : index
      %swap3A_339 = tpu.vector_load %arg8[%swap3A_338] {strides = array<i32>} : memref<1024xf32, #tpu.memory_space<vmem>>, vector<16xf32>,
      %swap3A_340 = vector.shape_cast %swap3A_339 : vector<16xf32> to vector<16xf32>
      %swap3A_341 = vector.shape_cast %broadcast_in_dim3A_337 : vector<16xf32> to vector<16xf32>
      tpu.vector_store %arg8[%swap3A_338], %swap3A_341 {strides = array<i32>} : memref<1024xf32, #tpu.memory_space<vmem>>, vector<16xf32>,
      %broadcast_in_dim3A_342 = arith.constant 0.000000e+00 : f32
      %broadcast_in_dim3A_343 = vector.broadcast %broadcast_in_dim3A_342 : f32 to vector<16xf32>
      %swap3A_344 = arith.constant 704 : index
      %swap3A_345 = tpu.vector_load %arg8[%swap3A_344] {strides = array<i32>} : memref<1024xf32, #tpu.memory_space<vmem>>, vector<16xf32>,
      %swap3A_346 = vector.shape_cast %swap3A_345 : vector<16xf32> to vector<16xf32>
      %swap3A_347 = vector.shape_cast %broadcast_in_dim3A_343 : vector<16xf32> to vector<16xf32>
      tpu.vector_store %arg8[%swap3A_344], %swap3A_347 {strides = array<i32>} : memref<1024xf32, #tpu.memory_space<vmem>>, vector<16xf32>,
      %broadcast_in_dim3A_348 = arith.constant 0.000000e+00 : f32
      %broadcast_in_dim3A_349 = vector.broadcast %broadcast_in_dim3A_348 : f32 to vector<16xf32>
      %swap3A_350 = arith.constant 720 : index
      %swap3A_351 = tpu.vector_load %arg8[%swap3A_350] {strides = array<i32>} : memref<1024xf32, #tpu.memory_space<vmem>>, vector<16xf32>,
      %swap3A_352 = vector.shape_cast %swap3A_351 : vector<16xf32> to vector<16xf32>
      %swap3A_353 = vector.shape_cast %broadcast_in_dim3A_349 : vector<16xf32> to vector<16xf32>
      tpu.vector_store %arg8[%swap3A_350], %swap3A_353 {strides = array<i32>} : memref<1024xf32, #tpu.memory_space<vmem>>, vector<16xf32>,
      %broadcast_in_dim3A_354 = arith.constant 0.000000e+00 : f32
      %broadcast_in_dim3A_355 = vector.broadcast %broadcast_in_dim3A_354 : f32 to vector<16xf32>
      %swap3A_356 = arith.constant 736 : index
      %swap3A_357 = tpu.vector_load %arg8[%swap3A_356] {strides = array<i32>} : memref<1024xf32, #tpu.memory_space<vmem>>, vector<16xf32>,
      %swap3A_358 = vector.shape_cast %swap3A_357 : vector<16xf32> to vector<16xf32>
      %swap3A_359 = vector.shape_cast %broadcast_in_dim3A_355 : vector<16xf32> to vector<16xf32>
      tpu.vector_store %arg8[%swap3A_356], %swap3A_359 {strides = array<i32>} : memref<1024xf32, #tpu.memory_space<vmem>>, vector<16xf32>,
      %broadcast_in_dim3A_360 = arith.constant 0.000000e+00 : f32
      %broadcast_in_dim3A_361 = vector.broadcast %broadcast_in_dim3A_360 : f32 to vector<16xf32>
      %swap3A_362 = arith.constant 752 : index
      %swap3A_363 = tpu.vector_load %arg8[%swap3A_362] {strides = array<i32>} : memref<1024xf32, #tpu.memory_space<vmem>>, vector<16xf32>,
      %swap3A_364 = vector.shape_cast %swap3A_363 : vector<16xf32> to vector<16xf32>
      %swap3A_365 = vector.shape_cast %broadcast_in_dim3A_361 : vector<16xf32> to vector<16xf32>
      tpu.vector_store %arg8[%swap3A_362], %swap3A_365 {strides = array<i32>} : memref<1024xf32, #tpu.memory_space<vmem>>, vector<16xf32>,
      %broadcast_in_dim3A_366 = arith.constant 0.000000e+00 : f32
      %broadcast_in_dim3A_367 = vector.broadcast %broadcast_in_dim3A_366 : f32 to vector<16xf32>
      %swap3A_368 = arith.constant 768 : index
      %swap3A_369 = tpu.vector_load %arg8[%swap3A_368] {strides = array<i32>} : memref<1024xf32, #tpu.memory_space<vmem>>, vector<16xf32>,
      %swap3A_370 = vector.shape_cast %swap3A_369 : vector<16xf32> to vector<16xf32>
      %swap3A_371 = vector.shape_cast %broadcast_in_dim3A_367 : vector<16xf32> to vector<16xf32>
      tpu.vector_store %arg8[%swap3A_368], %swap3A_371 {strides = array<i32>} : memref<1024xf32, #tpu.memory_space<vmem>>, vector<16xf32>,
      %broadcast_in_dim3A_372 = arith.constant 0.000000e+00 : f32
      %broadcast_in_dim3A_373 = vector.broadcast %broadcast_in_dim3A_372 : f32 to vector<16xf32>
      %swap3A_374 = arith.constant 784 : index
      %swap3A_375 = tpu.vector_load %arg8[%swap3A_374] {strides = array<i32>} : memref<1024xf32, #tpu.memory_space<vmem>>, vector<16xf32>,
      %swap3A_376 = vector.shape_cast %swap3A_375 : vector<16xf32> to vector<16xf32>
      %swap3A_377 = vector.shape_cast %broadcast_in_dim3A_373 : vector<16xf32> to vector<16xf32>
      tpu.vector_store %arg8[%swap3A_374], %swap3A_377 {strides = array<i32>} : memref<1024xf32, #tpu.memory_space<vmem>>, vector<16xf32>,
      %broadcast_in_dim3A_378 = arith.constant 0.000000e+00 : f32
      %broadcast_in_dim3A_379 = vector.broadcast %broadcast_in_dim3A_378 : f32 to vector<16xf32>
      %swap3A_380 = arith.constant 800 : index
      %swap3A_381 = tpu.vector_load %arg8[%swap3A_380] {strides = array<i32>} : memref<1024xf32, #tpu.memory_space<vmem>>, vector<16xf32>,
      %swap3A_382 = vector.shape_cast %swap3A_381 : vector<16xf32> to vector<16xf32>
      %swap3A_383 = vector.shape_cast %broadcast_in_dim3A_379 : vector<16xf32> to vector<16xf32>
      tpu.vector_store %arg8[%swap3A_380], %swap3A_383 {strides = array<i32>} : memref<1024xf32, #tpu.memory_space<vmem>>, vector<16xf32>,
      %broadcast_in_dim3A_384 = arith.constant 0.000000e+00 : f32
      %broadcast_in_dim3A_385 = vector.broadcast %broadcast_in_dim3A_384 : f32 to vector<16xf32>
      %swap3A_386 = arith.constant 816 : index
      %swap3A_387 = tpu.vector_load %arg8[%swap3A_386] {strides = array<i32>} : memref<1024xf32, #tpu.memory_space<vmem>>, vector<16xf32>,
      %swap3A_388 = vector.shape_cast %swap3A_387 : vector<16xf32> to vector<16xf32>
      %swap3A_389 = vector.shape_cast %broadcast_in_dim3A_385 : vector<16xf32> to vector<16xf32>
      tpu.vector_store %arg8[%swap3A_386], %swap3A_389 {strides = array<i32>} : memref<1024xf32, #tpu.memory_space<vmem>>, vector<16xf32>,
      %broadcast_in_dim3A_390 = arith.constant 0.000000e+00 : f32
      %broadcast_in_dim3A_391 = vector.broadcast %broadcast_in_dim3A_390 : f32 to vector<16xf32>
      %swap3A_392 = arith.constant 832 : index
      %swap3A_393 = tpu.vector_load %arg8[%swap3A_392] {strides = array<i32>} : memref<1024xf32, #tpu.memory_space<vmem>>, vector<16xf32>,
      %swap3A_394 = vector.shape_cast %swap3A_393 : vector<16xf32> to vector<16xf32>
      %swap3A_395 = vector.shape_cast %broadcast_in_dim3A_391 : vector<16xf32> to vector<16xf32>
      tpu.vector_store %arg8[%swap3A_392], %swap3A_395 {strides = array<i32>} : memref<1024xf32, #tpu.memory_space<vmem>>, vector<16xf32>,
      %broadcast_in_dim3A_396 = arith.constant 0.000000e+00 : f32
      %broadcast_in_dim3A_397 = vector.broadcast %broadcast_in_dim3A_396 : f32 to vector<16xf32>
      %swap3A_398 = arith.constant 848 : index
      %swap3A_399 = tpu.vector_load %arg8[%swap3A_398] {strides = array<i32>} : memref<1024xf32, #tpu.memory_space<vmem>>, vector<16xf32>,
      %swap3A_400 = vector.shape_cast %swap3A_399 : vector<16xf32> to vector<16xf32>
      %swap3A_401 = vector.shape_cast %broadcast_in_dim3A_397 : vector<16xf32> to vector<16xf32>
      tpu.vector_store %arg8[%swap3A_398], %swap3A_401 {strides = array<i32>} : memref<1024xf32, #tpu.memory_space<vmem>>, vector<16xf32>,
      %broadcast_in_dim3A_402 = arith.constant 0.000000e+00 : f32
      %broadcast_in_dim3A_403 = vector.broadcast %broadcast_in_dim3A_402 : f32 to vector<16xf32>
      %swap3A_404 = arith.constant 864 : index
      %swap3A_405 = tpu.vector_load %arg8[%swap3A_404] {strides = array<i32>} : memref<1024xf32, #tpu.memory_space<vmem>>, vector<16xf32>,
      %swap3A_406 = vector.shape_cast %swap3A_405 : vector<16xf32> to vector<16xf32>
      %swap3A_407 = vector.shape_cast %broadcast_in_dim3A_403 : vector<16xf32> to vector<16xf32>
      tpu.vector_store %arg8[%swap3A_404], %swap3A_407 {strides = array<i32>} : memref<1024xf32, #tpu.memory_space<vmem>>, vector<16xf32>,
      %broadcast_in_dim3A_408 = arith.constant 0.000000e+00 : f32
      %broadcast_in_dim3A_409 = vector.broadcast %broadcast_in_dim3A_408 : f32 to vector<16xf32>
      %swap3A_410 = arith.constant 880 : index
      %swap3A_411 = tpu.vector_load %arg8[%swap3A_410] {strides = array<i32>} : memref<1024xf32, #tpu.memory_space<vmem>>, vector<16xf32>,
      %swap3A_412 = vector.shape_cast %swap3A_411 : vector<16xf32> to vector<16xf32>
      %swap3A_413 = vector.shape_cast %broadcast_in_dim3A_409 : vector<16xf32> to vector<16xf32>
      tpu.vector_store %arg8[%swap3A_410], %swap3A_413 {strides = array<i32>} : memref<1024xf32, #tpu.memory_space<vmem>>, vector<16xf32>,
      %broadcast_in_dim3A_414 = arith.constant 0.000000e+00 : f32
      %broadcast_in_dim3A_415 = vector.broadcast %broadcast_in_dim3A_414 : f32 to vector<16xf32>
      %swap3A_416 = arith.constant 896 : index
      %swap3A_417 = tpu.vector_load %arg8[%swap3A_416] {strides = array<i32>} : memref<1024xf32, #tpu.memory_space<vmem>>, vector<16xf32>,
      %swap3A_418 = vector.shape_cast %swap3A_417 : vector<16xf32> to vector<16xf32>
      %swap3A_419 = vector.shape_cast %broadcast_in_dim3A_415 : vector<16xf32> to vector<16xf32>
      tpu.vector_store %arg8[%swap3A_416], %swap3A_419 {strides = array<i32>} : memref<1024xf32, #tpu.memory_space<vmem>>, vector<16xf32>,
      %broadcast_in_dim3A_420 = arith.constant 0.000000e+00 : f32
      %broadcast_in_dim3A_421 = vector.broadcast %broadcast_in_dim3A_420 : f32 to vector<16xf32>
      %swap3A_422 = arith.constant 912 : index
      %swap3A_423 = tpu.vector_load %arg8[%swap3A_422] {strides = array<i32>} : memref<1024xf32, #tpu.memory_space<vmem>>, vector<16xf32>,
      %swap3A_424 = vector.shape_cast %swap3A_423 : vector<16xf32> to vector<16xf32>
      %swap3A_425 = vector.shape_cast %broadcast_in_dim3A_421 : vector<16xf32> to vector<16xf32>
      tpu.vector_store %arg8[%swap3A_422], %swap3A_425 {strides = array<i32>} : memref<1024xf32, #tpu.memory_space<vmem>>, vector<16xf32>,
      %broadcast_in_dim3A_426 = arith.constant 0.000000e+00 : f32
      %broadcast_in_dim3A_427 = vector.broadcast %broadcast_in_dim3A_426 : f32 to vector<16xf32>
      %swap3A_428 = arith.constant 928 : index
      %swap3A_429 = tpu.vector_load %arg8[%swap3A_428] {strides = array<i32>} : memref<1024xf32, #tpu.memory_space<vmem>>, vector<16xf32>,
      %swap3A_430 = vector.shape_cast %swap3A_429 : vector<16xf32> to vector<16xf32>
      %swap3A_431 = vector.shape_cast %broadcast_in_dim3A_427 : vector<16xf32> to vector<16xf32>
      tpu.vector_store %arg8[%swap3A_428], %swap3A_431 {strides = array<i32>} : memref<1024xf32, #tpu.memory_space<vmem>>, vector<16xf32>,
      %broadcast_in_dim3A_432 = arith.constant 0.000000e+00 : f32
      %broadcast_in_dim3A_433 = vector.broadcast %broadcast_in_dim3A_432 : f32 to vector<16xf32>
      %swap3A_434 = arith.constant 944 : index
      %swap3A_435 = tpu.vector_load %arg8[%swap3A_434] {strides = array<i32>} : memref<1024xf32, #tpu.memory_space<vmem>>, vector<16xf32>,
      %swap3A_436 = vector.shape_cast %swap3A_435 : vector<16xf32> to vector<16xf32>
      %swap3A_437 = vector.shape_cast %broadcast_in_dim3A_433 : vector<16xf32> to vector<16xf32>
      tpu.vector_store %arg8[%swap3A_434], %swap3A_437 {strides = array<i32>} : memref<1024xf32, #tpu.memory_space<vmem>>, vector<16xf32>,
      %broadcast_in_dim3A_438 = arith.constant 0.000000e+00 : f32
      %broadcast_in_dim3A_439 = vector.broadcast %broadcast_in_dim3A_438 : f32 to vector<16xf32>
      %swap3A_440 = arith.constant 960 : index
      %swap3A_441 = tpu.vector_load %arg8[%swap3A_440] {strides = array<i32>} : memref<1024xf32, #tpu.memory_space<vmem>>, vector<16xf32>,
      %swap3A_442 = vector.shape_cast %swap3A_441 : vector<16xf32> to vector<16xf32>
      %swap3A_443 = vector.shape_cast %broadcast_in_dim3A_439 : vector<16xf32> to vector<16xf32>
      tpu.vector_store %arg8[%swap3A_440], %swap3A_443 {strides = array<i32>} : memref<1024xf32, #tpu.memory_space<vmem>>, vector<16xf32>,
      %broadcast_in_dim3A_444 = arith.constant 0.000000e+00 : f32
      %broadcast_in_dim3A_445 = vector.broadcast %broadcast_in_dim3A_444 : f32 to vector<16xf32>
      %swap3A_446 = arith.constant 976 : index
      %swap3A_447 = tpu.vector_load %arg8[%swap3A_446] {strides = array<i32>} : memref<1024xf32, #tpu.memory_space<vmem>>, vector<16xf32>,
      %swap3A_448 = vector.shape_cast %swap3A_447 : vector<16xf32> to vector<16xf32>
      %swap3A_449 = vector.shape_cast %broadcast_in_dim3A_445 : vector<16xf32> to vector<16xf32>
      tpu.vector_store %arg8[%swap3A_446], %swap3A_449 {strides = array<i32>} : memref<1024xf32, #tpu.memory_space<vmem>>, vector<16xf32>,
      %broadcast_in_dim3A_450 = arith.constant 0.000000e+00 : f32
      %broadcast_in_dim3A_451 = vector.broadcast %broadcast_in_dim3A_450 : f32 to vector<16xf32>
      %swap3A_452 = arith.constant 992 : index
      %swap3A_453 = tpu.vector_load %arg8[%swap3A_452] {strides = array<i32>} : memref<1024xf32, #tpu.memory_space<vmem>>, vector<16xf32>,
      %swap3A_454 = vector.shape_cast %swap3A_453 : vector<16xf32> to vector<16xf32>
      %swap3A_455 = vector.shape_cast %broadcast_in_dim3A_451 : vector<16xf32> to vector<16xf32>
      tpu.vector_store %arg8[%swap3A_452], %swap3A_455 {strides = array<i32>} : memref<1024xf32, #tpu.memory_space<vmem>>, vector<16xf32>,
      %broadcast_in_dim3A_456 = arith.constant 0.000000e+00 : f32
      %broadcast_in_dim3A_457 = vector.broadcast %broadcast_in_dim3A_456 : f32 to vector<16xf32>
      %swap3A_458 = arith.constant 1008 : index
      %swap3A_459 = tpu.vector_load %arg8[%swap3A_458] {strides = array<i32>} : memref<1024xf32, #tpu.memory_space<vmem>>, vector<16xf32>,
      %swap3A_460 = vector.shape_cast %swap3A_459 : vector<16xf32> to vector<16xf32>
      %swap3A_461 = vector.shape_cast %broadcast_in_dim3A_457 : vector<16xf32> to vector<16xf32>
      tpu.vector_store %arg8[%swap3A_458], %swap3A_461 {strides = array<i32>} : memref<1024xf32, #tpu.memory_space<vmem>>, vector<16xf32>,
      "tpu.region"() ({
        %run_scoped3A_462 = tpu.sem_alloc : memref<!tpu.dma_semaphore, #tpu.memory_space<semaphore_mem>>
        tpu.enqueue_dma source(%arg8 : memref<1024xf32, #tpu.memory_space<vmem>>) target(%arg9 : memref<1024xf32, #tpu.memory_space<vmem_shared>>) target_semaphore(%run_scoped3A_462 : memref<!tpu.dma_semaphore, #tpu.memory_space<semaphore_mem>>)
        tpu.wait_dma2 semaphore(%run_scoped3A_462 : memref<!tpu.dma_semaphore, #tpu.memory_space<semaphore_mem>>) src(%arg8 : memref<1024xf32, #tpu.memory_space<vmem>>) dst(%arg9 : memref<1024xf32, #tpu.memory_space<vmem_shared>>)
        tpu.yield
      }) : () -> ()
      "tpu.region"() ({
        %run_scoped3A_462 = tpu.sem_alloc : memref<!tpu.dma_semaphore, #tpu.memory_space<semaphore_mem>>
        tpu.enqueue_dma source(%arg8 : memref<1024xf32, #tpu.memory_space<vmem>>) target(%arg10 : memref<1024xf32, #tpu.memory_space<vmem_shared>>) target_semaphore(%run_scoped3A_462 : memref<!tpu.dma_semaphore, #tpu.memory_space<semaphore_mem>>)
        tpu.wait_dma2 semaphore(%run_scoped3A_462 : memref<!tpu.dma_semaphore, #tpu.memory_space<semaphore_mem>>) src(%arg8 : memref<1024xf32, #tpu.memory_space<vmem>>) dst(%arg10 : memref<1024xf32, #tpu.memory_space<vmem_shared>>)
        tpu.yield
      }) : () -> ()
    } else {
    }
    %broadcast_in_dim3A = arith.constant 1.000000e+00 : f32
    %broadcast_in_dim3A_2 = vector.broadcast %broadcast_in_dim3A : f32 to vector<16xf32>
    %swap3A = arith.constant 0 : index
    %swap3A_3 = tpu.vector_load %arg7[%swap3A] {strides = array<i32>} : memref<128xf32, #tpu.memory_space<vmem>>, vector<16xf32>,
    %swap3A_4 = vector.shape_cast %swap3A_3 : vector<16xf32> to vector<16xf32>
    %swap3A_5 = vector.shape_cast %broadcast_in_dim3A_2 : vector<16xf32> to vector<16xf32>
    tpu.vector_store %arg7[%swap3A], %swap3A_5 {strides = array<i32>} : memref<128xf32, #tpu.memory_space<vmem>>, vector<16xf32>,
    %broadcast_in_dim3A_6 = arith.constant 1.000000e+00 : f32
    %broadcast_in_dim3A_7 = vector.broadcast %broadcast_in_dim3A_6 : f32 to vector<16xf32>
    %swap3A_8 = arith.constant 16 : index
    %swap3A_9 = tpu.vector_load %arg7[%swap3A_8] {strides = array<i32>} : memref<128xf32, #tpu.memory_space<vmem>>, vector<16xf32>,
    %swap3A_10 = vector.shape_cast %swap3A_9 : vector<16xf32> to vector<16xf32>
    %swap3A_11 = vector.shape_cast %broadcast_in_dim3A_7 : vector<16xf32> to vector<16xf32>
    tpu.vector_store %arg7[%swap3A_8], %swap3A_11 {strides = array<i32>} : memref<128xf32, #tpu.memory_space<vmem>>, vector<16xf32>,
    %broadcast_in_dim3A_12 = arith.constant 1.000000e+00 : f32
    %broadcast_in_dim3A_13 = vector.broadcast %broadcast_in_dim3A_12 : f32 to vector<16xf32>
    %swap3A_14 = arith.constant 32 : index
    %swap3A_15 = tpu.vector_load %arg7[%swap3A_14] {strides = array<i32>} : memref<128xf32, #tpu.memory_space<vmem>>, vector<16xf32>,
    %swap3A_16 = vector.shape_cast %swap3A_15 : vector<16xf32> to vector<16xf32>
    %swap3A_17 = vector.shape_cast %broadcast_in_dim3A_13 : vector<16xf32> to vector<16xf32>
    tpu.vector_store %arg7[%swap3A_14], %swap3A_17 {strides = array<i32>} : memref<128xf32, #tpu.memory_space<vmem>>, vector<16xf32>,
    %broadcast_in_dim3A_18 = arith.constant 1.000000e+00 : f32
    %broadcast_in_dim3A_19 = vector.broadcast %broadcast_in_dim3A_18 : f32 to vector<16xf32>
    %swap3A_20 = arith.constant 48 : index
    %swap3A_21 = tpu.vector_load %arg7[%swap3A_20] {strides = array<i32>} : memref<128xf32, #tpu.memory_space<vmem>>, vector<16xf32>,
    %swap3A_22 = vector.shape_cast %swap3A_21 : vector<16xf32> to vector<16xf32>
    %swap3A_23 = vector.shape_cast %broadcast_in_dim3A_19 : vector<16xf32> to vector<16xf32>
    tpu.vector_store %arg7[%swap3A_20], %swap3A_23 {strides = array<i32>} : memref<128xf32, #tpu.memory_space<vmem>>, vector<16xf32>,
    %broadcast_in_dim3A_24 = arith.constant 1.000000e+00 : f32
    %broadcast_in_dim3A_25 = vector.broadcast %broadcast_in_dim3A_24 : f32 to vector<16xf32>
    %swap3A_26 = arith.constant 64 : index
    %swap3A_27 = tpu.vector_load %arg7[%swap3A_26] {strides = array<i32>} : memref<128xf32, #tpu.memory_space<vmem>>, vector<16xf32>,
    %swap3A_28 = vector.shape_cast %swap3A_27 : vector<16xf32> to vector<16xf32>
    %swap3A_29 = vector.shape_cast %broadcast_in_dim3A_25 : vector<16xf32> to vector<16xf32>
    tpu.vector_store %arg7[%swap3A_26], %swap3A_29 {strides = array<i32>} : memref<128xf32, #tpu.memory_space<vmem>>, vector<16xf32>,
    %broadcast_in_dim3A_30 = arith.constant 1.000000e+00 : f32
    %broadcast_in_dim3A_31 = vector.broadcast %broadcast_in_dim3A_30 : f32 to vector<16xf32>
    %swap3A_32 = arith.constant 80 : index
    %swap3A_33 = tpu.vector_load %arg7[%swap3A_32] {strides = array<i32>} : memref<128xf32, #tpu.memory_space<vmem>>, vector<16xf32>,
    %swap3A_34 = vector.shape_cast %swap3A_33 : vector<16xf32> to vector<16xf32>
    %swap3A_35 = vector.shape_cast %broadcast_in_dim3A_31 : vector<16xf32> to vector<16xf32>
    tpu.vector_store %arg7[%swap3A_32], %swap3A_35 {strides = array<i32>} : memref<128xf32, #tpu.memory_space<vmem>>, vector<16xf32>,
    %broadcast_in_dim3A_36 = arith.constant 1.000000e+00 : f32
    %broadcast_in_dim3A_37 = vector.broadcast %broadcast_in_dim3A_36 : f32 to vector<16xf32>
    %swap3A_38 = arith.constant 96 : index
    %swap3A_39 = tpu.vector_load %arg7[%swap3A_38] {strides = array<i32>} : memref<128xf32, #tpu.memory_space<vmem>>, vector<16xf32>,
    %swap3A_40 = vector.shape_cast %swap3A_39 : vector<16xf32> to vector<16xf32>
    %swap3A_41 = vector.shape_cast %broadcast_in_dim3A_37 : vector<16xf32> to vector<16xf32>
    tpu.vector_store %arg7[%swap3A_38], %swap3A_41 {strides = array<i32>} : memref<128xf32, #tpu.memory_space<vmem>>, vector<16xf32>,
    %broadcast_in_dim3A_42 = arith.constant 1.000000e+00 : f32
    %broadcast_in_dim3A_43 = vector.broadcast %broadcast_in_dim3A_42 : f32 to vector<16xf32>
    %swap3A_44 = arith.constant 112 : index
    %swap3A_45 = tpu.vector_load %arg7[%swap3A_44] {strides = array<i32>} : memref<128xf32, #tpu.memory_space<vmem>>, vector<16xf32>,
    %swap3A_46 = vector.shape_cast %swap3A_45 : vector<16xf32> to vector<16xf32>
    %swap3A_47 = vector.shape_cast %broadcast_in_dim3A_43 : vector<16xf32> to vector<16xf32>
    tpu.vector_store %arg7[%swap3A_44], %swap3A_47 {strides = array<i32>} : memref<128xf32, #tpu.memory_space<vmem>>, vector<16xf32>,
    %mul3A = arith.constant 8 : i32
    %mul3A_48 = arith.muli %arg1, %mul3A : i32
    "tpu.region"() ({
      %run_scoped3A_78 = tpu.sem_alloc : memref<!tpu.dma_semaphore, #tpu.memory_space<semaphore_mem>>
      %dma_start3A = arith.constant 0 : i32
      %dma_start3A_79 = tpu.memref_slice %arg2[%mul3A_48, %dma_start3A] : memref<128x128xi32, #tpu.memory_space<hbm>> -> memref<8x128xi32, #tpu.memory_space<hbm>>
      %dma_start3A_80 = arith.constant 0 : i32
      %dma_start3A_81 = tpu.memref_slice %arg2[%mul3A_48, %dma_start3A_80] : memref<128x128xi32, #tpu.memory_space<hbm>> -> memref<8x128xi32, #tpu.memory_space<hbm>>
      tpu.enqueue_dma source(%dma_start3A_81 : memref<8x128xi32, #tpu.memory_space<hbm>>) target(%arg5 : memref<8x128xi32, #tpu.memory_space<vmem>>) target_semaphore(%run_scoped3A_78 : memref<!tpu.dma_semaphore, #tpu.memory_space<semaphore_mem>>)
      %dma_wait3A = arith.constant 0 : i32
      %dma_wait3A_82 = tpu.memref_slice %arg2[%mul3A_48, %dma_wait3A] : memref<128x128xi32, #tpu.memory_space<hbm>> -> memref<8x128xi32, #tpu.memory_space<hbm>>
      %dma_wait3A_83 = arith.constant 0 : i32
      %dma_wait3A_84 = tpu.memref_slice %arg2[%mul3A_48, %dma_wait3A_83] : memref<128x128xi32, #tpu.memory_space<hbm>> -> memref<8x128xi32, #tpu.memory_space<hbm>>
      tpu.wait_dma2 semaphore(%run_scoped3A_78 : memref<!tpu.dma_semaphore, #tpu.memory_space<semaphore_mem>>) src(%dma_wait3A_84 : memref<8x128xi32, #tpu.memory_space<hbm>>) dst(%arg5 : memref<8x128xi32, #tpu.memory_space<vmem>>)
      tpu.yield
    }) : () -> ()
    "tpu.region"() ({
      %run_scoped3A_78 = tpu.sem_alloc : memref<!tpu.dma_semaphore, #tpu.memory_space<semaphore_mem>>
      %dma_start3A = arith.constant 0 : i32
      %dma_start3A_79 = tpu.memref_slice %arg3[%mul3A_48, %dma_start3A] : memref<128x128xf32, #tpu.memory_space<hbm>> -> memref<8x128xf32, #tpu.memory_space<hbm>>
      %dma_start3A_80 = arith.constant 0 : i32
      %dma_start3A_81 = tpu.memref_slice %arg3[%mul3A_48, %dma_start3A_80] : memref<128x128xf32, #tpu.memory_space<hbm>> -> memref<8x128xf32, #tpu.memory_space<hbm>>
      tpu.enqueue_dma source(%dma_start3A_81 : memref<8x128xf32, #tpu.memory_space<hbm>>) target(%arg6 : memref<8x128xf32, #tpu.memory_space<vmem>>) target_semaphore(%run_scoped3A_78 : memref<!tpu.dma_semaphore, #tpu.memory_space<semaphore_mem>>)
      %dma_wait3A = arith.constant 0 : i32
      %dma_wait3A_82 = tpu.memref_slice %arg3[%mul3A_48, %dma_wait3A] : memref<128x128xf32, #tpu.memory_space<hbm>> -> memref<8x128xf32, #tpu.memory_space<hbm>>
      %dma_wait3A_83 = arith.constant 0 : i32
      %dma_wait3A_84 = tpu.memref_slice %arg3[%mul3A_48, %dma_wait3A_83] : memref<128x128xf32, #tpu.memory_space<hbm>> -> memref<8x128xf32, #tpu.memory_space<hbm>>
      tpu.wait_dma2 semaphore(%run_scoped3A_78 : memref<!tpu.dma_semaphore, #tpu.memory_space<semaphore_mem>>) src(%dma_wait3A_84 : memref<8x128xf32, #tpu.memory_space<hbm>>) dst(%arg6 : memref<8x128xf32, #tpu.memory_space<vmem>>)
      tpu.yield
    }) : () -> ()
    %barrier3A = arith.constant 0 : index
    tpu.barrier barrier_id(%barrier3A)
    %run_scoped3A = arith.constant 0 : i32
    "tpu.region"() ({
      %run_scoped3A_78 = tpu.sem_alloc : memref<!tpu.dma_semaphore, #tpu.memory_space<semaphore_mem>>
      %dma_start3A = arith.constant 0 : i32
      %dma_start3A_79 = tpu.memref_slice %arg5[%run_scoped3A, %dma_start3A] : memref<8x128xi32, #tpu.memory_space<vmem>> -> memref<1x128xi32, #tpu.memory_space<vmem>>
      %dma_start3A_80 = tpu.memref_squeeze %dma_start3A_79 : memref<1x128xi32, #tpu.memory_space<vmem>> -> memref<128xi32, #tpu.memory_space<vmem>>
      %dma_start3A_81 = arith.constant 0 : i32
      %dma_start3A_82 = tpu.memref_slice %arg9[%dma_start3A_81] : memref<1024xf32, #tpu.memory_space<vmem_shared>> -> memref<1024xf32, #tpu.memory_space<vmem_shared>>
      tpu.enqueue_indirect_dma source(%arg7 : memref<128xf32, #tpu.memory_space<vmem>>) target(%dma_start3A_82 : memref<1024xf32, #tpu.memory_space<vmem_shared>>) offsets(%dma_start3A_80 : memref<128xi32, #tpu.memory_space<vmem>>) semaphore(%run_scoped3A_78 : memref<!tpu.dma_semaphore, #tpu.memory_space<semaphore_mem>>) {add = true}
      %dma_wait3A = arith.constant 0 : i32
      %dma_wait3A_83 = tpu.memref_slice %arg5[%run_scoped3A, %dma_wait3A] : memref<8x128xi32, #tpu.memory_space<vmem>> -> memref<1x128xi32, #tpu.memory_space<vmem>>
      %dma_wait3A_84 = tpu.memref_squeeze %dma_wait3A_83 : memref<1x128xi32, #tpu.memory_space<vmem>> -> memref<128xi32, #tpu.memory_space<vmem>>
      %dma_wait3A_85 = arith.constant 0 : i32
      %dma_wait3A_86 = tpu.memref_slice %arg9[%dma_wait3A_85] : memref<1024xf32, #tpu.memory_space<vmem_shared>> -> memref<1024xf32, #tpu.memory_space<vmem_shared>>
      tpu.wait_indirect_dma semaphore(%run_scoped3A_78 : memref<!tpu.dma_semaphore, #tpu.memory_space<semaphore_mem>>) src(%arg7 : memref<128xf32, #tpu.memory_space<vmem>>) dst(%dma_wait3A_86 : memref<1024xf32, #tpu.memory_space<vmem_shared>>)
      tpu.yield
    }) : () -> ()
    %run_scoped3A_49 = arith.constant 0 : i32
    %run_scoped3A_50 = arith.constant 0 : i32
    "tpu.region"() ({
      %run_scoped3A_78 = tpu.sem_alloc : memref<!tpu.dma_semaphore, #tpu.memory_space<semaphore_mem>>
      %dma_start3A = arith.constant 0 : i32
      %dma_start3A_79 = tpu.memref_slice %arg6[%run_scoped3A_49, %dma_start3A] : memref<8x128xf32, #tpu.memory_space<vmem>> -> memref<1x128xf32, #tpu.memory_space<vmem>>
      %dma_start3A_80 = tpu.memref_squeeze %dma_start3A_79 : memref<1x128xf32, #tpu.memory_space<vmem>> -> memref<128xf32, #tpu.memory_space<vmem>>
      %dma_start3A_81 = arith.constant 0 : i32
      %dma_start3A_82 = tpu.memref_slice %arg5[%run_scoped3A_50, %dma_start3A_81] : memref<8x128xi32, #tpu.memory_space<vmem>> -> memref<1x128xi32, #tpu.memory_space<vmem>>
      %dma_start3A_83 = tpu.memref_squeeze %dma_start3A_82 : memref<1x128xi32, #tpu.memory_space<vmem>> -> memref<128xi32, #tpu.memory_space<vmem>>
      %dma_start3A_84 = arith.constant 0 : i32
      %dma_start3A_85 = tpu.memref_slice %arg10[%dma_start3A_84] : memref<1024xf32, #tpu.memory_space<vmem_shared>> -> memref<1024xf32, #tpu.memory_space<vmem_shared>>
      tpu.enqueue_indirect_dma source(%dma_start3A_80 : memref<128xf32, #tpu.memory_space<vmem>>) target(%dma_start3A_85 : memref<1024xf32, #tpu.memory_space<vmem_shared>>) offsets(%dma_start3A_83 : memref<128xi32, #tpu.memory_space<vmem>>) semaphore(%run_scoped3A_78 : memref<!tpu.dma_semaphore, #tpu.memory_space<semaphore_mem>>) {add = true}
      %dma_wait3A = arith.constant 0 : i32
      %dma_wait3A_86 = tpu.memref_slice %arg6[%run_scoped3A_49, %dma_wait3A] : memref<8x128xf32, #tpu.memory_space<vmem>> -> memref<1x128xf32, #tpu.memory_space<vmem>>
      %dma_wait3A_87 = tpu.memref_squeeze %dma_wait3A_86 : memref<1x128xf32, #tpu.memory_space<vmem>> -> memref<128xf32, #tpu.memory_space<vmem>>
      %dma_wait3A_88 = arith.constant 0 : i32
      %dma_wait3A_89 = tpu.memref_slice %arg5[%run_scoped3A_50, %dma_wait3A_88] : memref<8x128xi32, #tpu.memory_space<vmem>> -> memref<1x128xi32, #tpu.memory_space<vmem>>
      %dma_wait3A_90 = tpu.memref_squeeze %dma_wait3A_89 : memref<1x128xi32, #tpu.memory_space<vmem>> -> memref<128xi32, #tpu.memory_space<vmem>>
      %dma_wait3A_91 = arith.constant 0 : i32
      %dma_wait3A_92 = tpu.memref_slice %arg10[%dma_wait3A_91] : memref<1024xf32, #tpu.memory_space<vmem_shared>> -> memref<1024xf32, #tpu.memory_space<vmem_shared>>
      tpu.wait_indirect_dma semaphore(%run_scoped3A_78 : memref<!tpu.dma_semaphore, #tpu.memory_space<semaphore_mem>>) src(%dma_wait3A_87 : memref<128xf32, #tpu.memory_space<vmem>>) dst(%dma_wait3A_92 : memref<1024xf32, #tpu.memory_space<vmem_shared>>)
      tpu.yield
    }) : () -> ()
    %run_scoped3A_51 = arith.constant 1 : i32
    "tpu.region"() ({
      %run_scoped3A_78 = tpu.sem_alloc : memref<!tpu.dma_semaphore, #tpu.memory_space<semaphore_mem>>
      %dma_start3A = arith.constant 0 : i32
      %dma_start3A_79 = tpu.memref_slice %arg5[%run_scoped3A_51, %dma_start3A] : memref<8x128xi32, #tpu.memory_space<vmem>> -> memref<1x128xi32, #tpu.memory_space<vmem>>
      %dma_start3A_80 = tpu.memref_squeeze %dma_start3A_79 : memref<1x128xi32, #tpu.memory_space<vmem>> -> memref<128xi32, #tpu.memory_space<vmem>>
      %dma_start3A_81 = arith.constant 0 : i32
      %dma_start3A_82 = tpu.memref_slice %arg9[%dma_start3A_81] : memref<1024xf32, #tpu.memory_space<vmem_shared>> -> memref<1024xf32, #tpu.memory_space<vmem_shared>>
      tpu.enqueue_indirect_dma source(%arg7 : memref<128xf32, #tpu.memory_space<vmem>>) target(%dma_start3A_82 : memref<1024xf32, #tpu.memory_space<vmem_shared>>) offsets(%dma_start3A_80 : memref<128xi32, #tpu.memory_space<vmem>>) semaphore(%run_scoped3A_78 : memref<!tpu.dma_semaphore, #tpu.memory_space<semaphore_mem>>) {add = true}
      %dma_wait3A = arith.constant 0 : i32
      %dma_wait3A_83 = tpu.memref_slice %arg5[%run_scoped3A_51, %dma_wait3A] : memref<8x128xi32, #tpu.memory_space<vmem>> -> memref<1x128xi32, #tpu.memory_space<vmem>>
      %dma_wait3A_84 = tpu.memref_squeeze %dma_wait3A_83 : memref<1x128xi32, #tpu.memory_space<vmem>> -> memref<128xi32, #tpu.memory_space<vmem>>
      %dma_wait3A_85 = arith.constant 0 : i32
      %dma_wait3A_86 = tpu.memref_slice %arg9[%dma_wait3A_85] : memref<1024xf32, #tpu.memory_space<vmem_shared>> -> memref<1024xf32, #tpu.memory_space<vmem_shared>>
      tpu.wait_indirect_dma semaphore(%run_scoped3A_78 : memref<!tpu.dma_semaphore, #tpu.memory_space<semaphore_mem>>) src(%arg7 : memref<128xf32, #tpu.memory_space<vmem>>) dst(%dma_wait3A_86 : memref<1024xf32, #tpu.memory_space<vmem_shared>>)
      tpu.yield
    }) : () -> ()
    %run_scoped3A_52 = arith.constant 1 : i32
    %run_scoped3A_53 = arith.constant 1 : i32
    "tpu.region"() ({
      %run_scoped3A_78 = tpu.sem_alloc : memref<!tpu.dma_semaphore, #tpu.memory_space<semaphore_mem>>
      %dma_start3A = arith.constant 0 : i32
      %dma_start3A_79 = tpu.memref_slice %arg6[%run_scoped3A_52, %dma_start3A] : memref<8x128xf32, #tpu.memory_space<vmem>> -> memref<1x128xf32, #tpu.memory_space<vmem>>
      %dma_start3A_80 = tpu.memref_squeeze %dma_start3A_79 : memref<1x128xf32, #tpu.memory_space<vmem>> -> memref<128xf32, #tpu.memory_space<vmem>>
      %dma_start3A_81 = arith.constant 0 : i32
      %dma_start3A_82 = tpu.memref_slice %arg5[%run_scoped3A_53, %dma_start3A_81] : memref<8x128xi32, #tpu.memory_space<vmem>> -> memref<1x128xi32, #tpu.memory_space<vmem>>
      %dma_start3A_83 = tpu.memref_squeeze %dma_start3A_82 : memref<1x128xi32, #tpu.memory_space<vmem>> -> memref<128xi32, #tpu.memory_space<vmem>>
      %dma_start3A_84 = arith.constant 0 : i32
      %dma_start3A_85 = tpu.memref_slice %arg10[%dma_start3A_84] : memref<1024xf32, #tpu.memory_space<vmem_shared>> -> memref<1024xf32, #tpu.memory_space<vmem_shared>>
      tpu.enqueue_indirect_dma source(%dma_start3A_80 : memref<128xf32, #tpu.memory_space<vmem>>) target(%dma_start3A_85 : memref<1024xf32, #tpu.memory_space<vmem_shared>>) offsets(%dma_start3A_83 : memref<128xi32, #tpu.memory_space<vmem>>) semaphore(%run_scoped3A_78 : memref<!tpu.dma_semaphore, #tpu.memory_space<semaphore_mem>>) {add = true}
      %dma_wait3A = arith.constant 0 : i32
      %dma_wait3A_86 = tpu.memref_slice %arg6[%run_scoped3A_52, %dma_wait3A] : memref<8x128xf32, #tpu.memory_space<vmem>> -> memref<1x128xf32, #tpu.memory_space<vmem>>
      %dma_wait3A_87 = tpu.memref_squeeze %dma_wait3A_86 : memref<1x128xf32, #tpu.memory_space<vmem>> -> memref<128xf32, #tpu.memory_space<vmem>>
      %dma_wait3A_88 = arith.constant 0 : i32
      %dma_wait3A_89 = tpu.memref_slice %arg5[%run_scoped3A_53, %dma_wait3A_88] : memref<8x128xi32, #tpu.memory_space<vmem>> -> memref<1x128xi32, #tpu.memory_space<vmem>>
      %dma_wait3A_90 = tpu.memref_squeeze %dma_wait3A_89 : memref<1x128xi32, #tpu.memory_space<vmem>> -> memref<128xi32, #tpu.memory_space<vmem>>
      %dma_wait3A_91 = arith.constant 0 : i32
      %dma_wait3A_92 = tpu.memref_slice %arg10[%dma_wait3A_91] : memref<1024xf32, #tpu.memory_space<vmem_shared>> -> memref<1024xf32, #tpu.memory_space<vmem_shared>>
      tpu.wait_indirect_dma semaphore(%run_scoped3A_78 : memref<!tpu.dma_semaphore, #tpu.memory_space<semaphore_mem>>) src(%dma_wait3A_87 : memref<128xf32, #tpu.memory_space<vmem>>) dst(%dma_wait3A_92 : memref<1024xf32, #tpu.memory_space<vmem_shared>>)
      tpu.yield
    }) : () -> ()
    %run_scoped3A_54 = arith.constant 2 : i32
    "tpu.region"() ({
      %run_scoped3A_78 = tpu.sem_alloc : memref<!tpu.dma_semaphore, #tpu.memory_space<semaphore_mem>>
      %dma_start3A = arith.constant 0 : i32
      %dma_start3A_79 = tpu.memref_slice %arg5[%run_scoped3A_54, %dma_start3A] : memref<8x128xi32, #tpu.memory_space<vmem>> -> memref<1x128xi32, #tpu.memory_space<vmem>>
      %dma_start3A_80 = tpu.memref_squeeze %dma_start3A_79 : memref<1x128xi32, #tpu.memory_space<vmem>> -> memref<128xi32, #tpu.memory_space<vmem>>
      %dma_start3A_81 = arith.constant 0 : i32
      %dma_start3A_82 = tpu.memref_slice %arg9[%dma_start3A_81] : memref<1024xf32, #tpu.memory_space<vmem_shared>> -> memref<1024xf32, #tpu.memory_space<vmem_shared>>
      tpu.enqueue_indirect_dma source(%arg7 : memref<128xf32, #tpu.memory_space<vmem>>) target(%dma_start3A_82 : memref<1024xf32, #tpu.memory_space<vmem_shared>>) offsets(%dma_start3A_80 : memref<128xi32, #tpu.memory_space<vmem>>) semaphore(%run_scoped3A_78 : memref<!tpu.dma_semaphore, #tpu.memory_space<semaphore_mem>>) {add = true}
      %dma_wait3A = arith.constant 0 : i32
      %dma_wait3A_83 = tpu.memref_slice %arg5[%run_scoped3A_54, %dma_wait3A] : memref<8x128xi32, #tpu.memory_space<vmem>> -> memref<1x128xi32, #tpu.memory_space<vmem>>
      %dma_wait3A_84 = tpu.memref_squeeze %dma_wait3A_83 : memref<1x128xi32, #tpu.memory_space<vmem>> -> memref<128xi32, #tpu.memory_space<vmem>>
      %dma_wait3A_85 = arith.constant 0 : i32
      %dma_wait3A_86 = tpu.memref_slice %arg9[%dma_wait3A_85] : memref<1024xf32, #tpu.memory_space<vmem_shared>> -> memref<1024xf32, #tpu.memory_space<vmem_shared>>
      tpu.wait_indirect_dma semaphore(%run_scoped3A_78 : memref<!tpu.dma_semaphore, #tpu.memory_space<semaphore_mem>>) src(%arg7 : memref<128xf32, #tpu.memory_space<vmem>>) dst(%dma_wait3A_86 : memref<1024xf32, #tpu.memory_space<vmem_shared>>)
      tpu.yield
    }) : () -> ()
    %run_scoped3A_55 = arith.constant 2 : i32
    %run_scoped3A_56 = arith.constant 2 : i32
    "tpu.region"() ({
      %run_scoped3A_78 = tpu.sem_alloc : memref<!tpu.dma_semaphore, #tpu.memory_space<semaphore_mem>>
      %dma_start3A = arith.constant 0 : i32
      %dma_start3A_79 = tpu.memref_slice %arg6[%run_scoped3A_55, %dma_start3A] : memref<8x128xf32, #tpu.memory_space<vmem>> -> memref<1x128xf32, #tpu.memory_space<vmem>>
      %dma_start3A_80 = tpu.memref_squeeze %dma_start3A_79 : memref<1x128xf32, #tpu.memory_space<vmem>> -> memref<128xf32, #tpu.memory_space<vmem>>
      %dma_start3A_81 = arith.constant 0 : i32
      %dma_start3A_82 = tpu.memref_slice %arg5[%run_scoped3A_56, %dma_start3A_81] : memref<8x128xi32, #tpu.memory_space<vmem>> -> memref<1x128xi32, #tpu.memory_space<vmem>>
      %dma_start3A_83 = tpu.memref_squeeze %dma_start3A_82 : memref<1x128xi32, #tpu.memory_space<vmem>> -> memref<128xi32, #tpu.memory_space<vmem>>
      %dma_start3A_84 = arith.constant 0 : i32
      %dma_start3A_85 = tpu.memref_slice %arg10[%dma_start3A_84] : memref<1024xf32, #tpu.memory_space<vmem_shared>> -> memref<1024xf32, #tpu.memory_space<vmem_shared>>
      tpu.enqueue_indirect_dma source(%dma_start3A_80 : memref<128xf32, #tpu.memory_space<vmem>>) target(%dma_start3A_85 : memref<1024xf32, #tpu.memory_space<vmem_shared>>) offsets(%dma_start3A_83 : memref<128xi32, #tpu.memory_space<vmem>>) semaphore(%run_scoped3A_78 : memref<!tpu.dma_semaphore, #tpu.memory_space<semaphore_mem>>) {add = true}
      %dma_wait3A = arith.constant 0 : i32
      %dma_wait3A_86 = tpu.memref_slice %arg6[%run_scoped3A_55, %dma_wait3A] : memref<8x128xf32, #tpu.memory_space<vmem>> -> memref<1x128xf32, #tpu.memory_space<vmem>>
      %dma_wait3A_87 = tpu.memref_squeeze %dma_wait3A_86 : memref<1x128xf32, #tpu.memory_space<vmem>> -> memref<128xf32, #tpu.memory_space<vmem>>
      %dma_wait3A_88 = arith.constant 0 : i32
      %dma_wait3A_89 = tpu.memref_slice %arg5[%run_scoped3A_56, %dma_wait3A_88] : memref<8x128xi32, #tpu.memory_space<vmem>> -> memref<1x128xi32, #tpu.memory_space<vmem>>
      %dma_wait3A_90 = tpu.memref_squeeze %dma_wait3A_89 : memref<1x128xi32, #tpu.memory_space<vmem>> -> memref<128xi32, #tpu.memory_space<vmem>>
      %dma_wait3A_91 = arith.constant 0 : i32
      %dma_wait3A_92 = tpu.memref_slice %arg10[%dma_wait3A_91] : memref<1024xf32, #tpu.memory_space<vmem_shared>> -> memref<1024xf32, #tpu.memory_space<vmem_shared>>
      tpu.wait_indirect_dma semaphore(%run_scoped3A_78 : memref<!tpu.dma_semaphore, #tpu.memory_space<semaphore_mem>>) src(%dma_wait3A_87 : memref<128xf32, #tpu.memory_space<vmem>>) dst(%dma_wait3A_92 : memref<1024xf32, #tpu.memory_space<vmem_shared>>)
      tpu.yield
    }) : () -> ()
    %run_scoped3A_57 = arith.constant 3 : i32
    "tpu.region"() ({
      %run_scoped3A_78 = tpu.sem_alloc : memref<!tpu.dma_semaphore, #tpu.memory_space<semaphore_mem>>
      %dma_start3A = arith.constant 0 : i32
      %dma_start3A_79 = tpu.memref_slice %arg5[%run_scoped3A_57, %dma_start3A] : memref<8x128xi32, #tpu.memory_space<vmem>> -> memref<1x128xi32, #tpu.memory_space<vmem>>
      %dma_start3A_80 = tpu.memref_squeeze %dma_start3A_79 : memref<1x128xi32, #tpu.memory_space<vmem>> -> memref<128xi32, #tpu.memory_space<vmem>>
      %dma_start3A_81 = arith.constant 0 : i32
      %dma_start3A_82 = tpu.memref_slice %arg9[%dma_start3A_81] : memref<1024xf32, #tpu.memory_space<vmem_shared>> -> memref<1024xf32, #tpu.memory_space<vmem_shared>>
      tpu.enqueue_indirect_dma source(%arg7 : memref<128xf32, #tpu.memory_space<vmem>>) target(%dma_start3A_82 : memref<1024xf32, #tpu.memory_space<vmem_shared>>) offsets(%dma_start3A_80 : memref<128xi32, #tpu.memory_space<vmem>>) semaphore(%run_scoped3A_78 : memref<!tpu.dma_semaphore, #tpu.memory_space<semaphore_mem>>) {add = true}
      %dma_wait3A = arith.constant 0 : i32
      %dma_wait3A_83 = tpu.memref_slice %arg5[%run_scoped3A_57, %dma_wait3A] : memref<8x128xi32, #tpu.memory_space<vmem>> -> memref<1x128xi32, #tpu.memory_space<vmem>>
      %dma_wait3A_84 = tpu.memref_squeeze %dma_wait3A_83 : memref<1x128xi32, #tpu.memory_space<vmem>> -> memref<128xi32, #tpu.memory_space<vmem>>
      %dma_wait3A_85 = arith.constant 0 : i32
      %dma_wait3A_86 = tpu.memref_slice %arg9[%dma_wait3A_85] : memref<1024xf32, #tpu.memory_space<vmem_shared>> -> memref<1024xf32, #tpu.memory_space<vmem_shared>>
      tpu.wait_indirect_dma semaphore(%run_scoped3A_78 : memref<!tpu.dma_semaphore, #tpu.memory_space<semaphore_mem>>) src(%arg7 : memref<128xf32, #tpu.memory_space<vmem>>) dst(%dma_wait3A_86 : memref<1024xf32, #tpu.memory_space<vmem_shared>>)
      tpu.yield
    }) : () -> ()
    %run_scoped3A_58 = arith.constant 3 : i32
    %run_scoped3A_59 = arith.constant 3 : i32
    "tpu.region"() ({
      %run_scoped3A_78 = tpu.sem_alloc : memref<!tpu.dma_semaphore, #tpu.memory_space<semaphore_mem>>
      %dma_start3A = arith.constant 0 : i32
      %dma_start3A_79 = tpu.memref_slice %arg6[%run_scoped3A_58, %dma_start3A] : memref<8x128xf32, #tpu.memory_space<vmem>> -> memref<1x128xf32, #tpu.memory_space<vmem>>
      %dma_start3A_80 = tpu.memref_squeeze %dma_start3A_79 : memref<1x128xf32, #tpu.memory_space<vmem>> -> memref<128xf32, #tpu.memory_space<vmem>>
      %dma_start3A_81 = arith.constant 0 : i32
      %dma_start3A_82 = tpu.memref_slice %arg5[%run_scoped3A_59, %dma_start3A_81] : memref<8x128xi32, #tpu.memory_space<vmem>> -> memref<1x128xi32, #tpu.memory_space<vmem>>
      %dma_start3A_83 = tpu.memref_squeeze %dma_start3A_82 : memref<1x128xi32, #tpu.memory_space<vmem>> -> memref<128xi32, #tpu.memory_space<vmem>>
      %dma_start3A_84 = arith.constant 0 : i32
      %dma_start3A_85 = tpu.memref_slice %arg10[%dma_start3A_84] : memref<1024xf32, #tpu.memory_space<vmem_shared>> -> memref<1024xf32, #tpu.memory_space<vmem_shared>>
      tpu.enqueue_indirect_dma source(%dma_start3A_80 : memref<128xf32, #tpu.memory_space<vmem>>) target(%dma_start3A_85 : memref<1024xf32, #tpu.memory_space<vmem_shared>>) offsets(%dma_start3A_83 : memref<128xi32, #tpu.memory_space<vmem>>) semaphore(%run_scoped3A_78 : memref<!tpu.dma_semaphore, #tpu.memory_space<semaphore_mem>>) {add = true}
      %dma_wait3A = arith.constant 0 : i32
      %dma_wait3A_86 = tpu.memref_slice %arg6[%run_scoped3A_58, %dma_wait3A] : memref<8x128xf32, #tpu.memory_space<vmem>> -> memref<1x128xf32, #tpu.memory_space<vmem>>
      %dma_wait3A_87 = tpu.memref_squeeze %dma_wait3A_86 : memref<1x128xf32, #tpu.memory_space<vmem>> -> memref<128xf32, #tpu.memory_space<vmem>>
      %dma_wait3A_88 = arith.constant 0 : i32
      %dma_wait3A_89 = tpu.memref_slice %arg5[%run_scoped3A_59, %dma_wait3A_88] : memref<8x128xi32, #tpu.memory_space<vmem>> -> memref<1x128xi32, #tpu.memory_space<vmem>>
      %dma_wait3A_90 = tpu.memref_squeeze %dma_wait3A_89 : memref<1x128xi32, #tpu.memory_space<vmem>> -> memref<128xi32, #tpu.memory_space<vmem>>
      %dma_wait3A_91 = arith.constant 0 : i32
      %dma_wait3A_92 = tpu.memref_slice %arg10[%dma_wait3A_91] : memref<1024xf32, #tpu.memory_space<vmem_shared>> -> memref<1024xf32, #tpu.memory_space<vmem_shared>>
      tpu.wait_indirect_dma semaphore(%run_scoped3A_78 : memref<!tpu.dma_semaphore, #tpu.memory_space<semaphore_mem>>) src(%dma_wait3A_87 : memref<128xf32, #tpu.memory_space<vmem>>) dst(%dma_wait3A_92 : memref<1024xf32, #tpu.memory_space<vmem_shared>>)
      tpu.yield
    }) : () -> ()
    %run_scoped3A_60 = arith.constant 4 : i32
    "tpu.region"() ({
      %run_scoped3A_78 = tpu.sem_alloc : memref<!tpu.dma_semaphore, #tpu.memory_space<semaphore_mem>>
      %dma_start3A = arith.constant 0 : i32
      %dma_start3A_79 = tpu.memref_slice %arg5[%run_scoped3A_60, %dma_start3A] : memref<8x128xi32, #tpu.memory_space<vmem>> -> memref<1x128xi32, #tpu.memory_space<vmem>>
      %dma_start3A_80 = tpu.memref_squeeze %dma_start3A_79 : memref<1x128xi32, #tpu.memory_space<vmem>> -> memref<128xi32, #tpu.memory_space<vmem>>
      %dma_start3A_81 = arith.constant 0 : i32
      %dma_start3A_82 = tpu.memref_slice %arg9[%dma_start3A_81] : memref<1024xf32, #tpu.memory_space<vmem_shared>> -> memref<1024xf32, #tpu.memory_space<vmem_shared>>
      tpu.enqueue_indirect_dma source(%arg7 : memref<128xf32, #tpu.memory_space<vmem>>) target(%dma_start3A_82 : memref<1024xf32, #tpu.memory_space<vmem_shared>>) offsets(%dma_start3A_80 : memref<128xi32, #tpu.memory_space<vmem>>) semaphore(%run_scoped3A_78 : memref<!tpu.dma_semaphore, #tpu.memory_space<semaphore_mem>>) {add = true}
      %dma_wait3A = arith.constant 0 : i32
      %dma_wait3A_83 = tpu.memref_slice %arg5[%run_scoped3A_60, %dma_wait3A] : memref<8x128xi32, #tpu.memory_space<vmem>> -> memref<1x128xi32, #tpu.memory_space<vmem>>
      %dma_wait3A_84 = tpu.memref_squeeze %dma_wait3A_83 : memref<1x128xi32, #tpu.memory_space<vmem>> -> memref<128xi32, #tpu.memory_space<vmem>>
      %dma_wait3A_85 = arith.constant 0 : i32
      %dma_wait3A_86 = tpu.memref_slice %arg9[%dma_wait3A_85] : memref<1024xf32, #tpu.memory_space<vmem_shared>> -> memref<1024xf32, #tpu.memory_space<vmem_shared>>
      tpu.wait_indirect_dma semaphore(%run_scoped3A_78 : memref<!tpu.dma_semaphore, #tpu.memory_space<semaphore_mem>>) src(%arg7 : memref<128xf32, #tpu.memory_space<vmem>>) dst(%dma_wait3A_86 : memref<1024xf32, #tpu.memory_space<vmem_shared>>)
      tpu.yield
    }) : () -> ()
    %run_scoped3A_61 = arith.constant 4 : i32
    %run_scoped3A_62 = arith.constant 4 : i32
    "tpu.region"() ({
      %run_scoped3A_78 = tpu.sem_alloc : memref<!tpu.dma_semaphore, #tpu.memory_space<semaphore_mem>>
      %dma_start3A = arith.constant 0 : i32
      %dma_start3A_79 = tpu.memref_slice %arg6[%run_scoped3A_61, %dma_start3A] : memref<8x128xf32, #tpu.memory_space<vmem>> -> memref<1x128xf32, #tpu.memory_space<vmem>>
      %dma_start3A_80 = tpu.memref_squeeze %dma_start3A_79 : memref<1x128xf32, #tpu.memory_space<vmem>> -> memref<128xf32, #tpu.memory_space<vmem>>
      %dma_start3A_81 = arith.constant 0 : i32
      %dma_start3A_82 = tpu.memref_slice %arg5[%run_scoped3A_62, %dma_start3A_81] : memref<8x128xi32, #tpu.memory_space<vmem>> -> memref<1x128xi32, #tpu.memory_space<vmem>>
      %dma_start3A_83 = tpu.memref_squeeze %dma_start3A_82 : memref<1x128xi32, #tpu.memory_space<vmem>> -> memref<128xi32, #tpu.memory_space<vmem>>
      %dma_start3A_84 = arith.constant 0 : i32
      %dma_start3A_85 = tpu.memref_slice %arg10[%dma_start3A_84] : memref<1024xf32, #tpu.memory_space<vmem_shared>> -> memref<1024xf32, #tpu.memory_space<vmem_shared>>
      tpu.enqueue_indirect_dma source(%dma_start3A_80 : memref<128xf32, #tpu.memory_space<vmem>>) target(%dma_start3A_85 : memref<1024xf32, #tpu.memory_space<vmem_shared>>) offsets(%dma_start3A_83 : memref<128xi32, #tpu.memory_space<vmem>>) semaphore(%run_scoped3A_78 : memref<!tpu.dma_semaphore, #tpu.memory_space<semaphore_mem>>) {add = true}
      %dma_wait3A = arith.constant 0 : i32
      %dma_wait3A_86 = tpu.memref_slice %arg6[%run_scoped3A_61, %dma_wait3A] : memref<8x128xf32, #tpu.memory_space<vmem>> -> memref<1x128xf32, #tpu.memory_space<vmem>>
      %dma_wait3A_87 = tpu.memref_squeeze %dma_wait3A_86 : memref<1x128xf32, #tpu.memory_space<vmem>> -> memref<128xf32, #tpu.memory_space<vmem>>
      %dma_wait3A_88 = arith.constant 0 : i32
      %dma_wait3A_89 = tpu.memref_slice %arg5[%run_scoped3A_62, %dma_wait3A_88] : memref<8x128xi32, #tpu.memory_space<vmem>> -> memref<1x128xi32, #tpu.memory_space<vmem>>
      %dma_wait3A_90 = tpu.memref_squeeze %dma_wait3A_89 : memref<1x128xi32, #tpu.memory_space<vmem>> -> memref<128xi32, #tpu.memory_space<vmem>>
      %dma_wait3A_91 = arith.constant 0 : i32
      %dma_wait3A_92 = tpu.memref_slice %arg10[%dma_wait3A_91] : memref<1024xf32, #tpu.memory_space<vmem_shared>> -> memref<1024xf32, #tpu.memory_space<vmem_shared>>
      tpu.wait_indirect_dma semaphore(%run_scoped3A_78 : memref<!tpu.dma_semaphore, #tpu.memory_space<semaphore_mem>>) src(%dma_wait3A_87 : memref<128xf32, #tpu.memory_space<vmem>>) dst(%dma_wait3A_92 : memref<1024xf32, #tpu.memory_space<vmem_shared>>)
      tpu.yield
    }) : () -> ()
    %run_scoped3A_63 = arith.constant 5 : i32
    "tpu.region"() ({
      %run_scoped3A_78 = tpu.sem_alloc : memref<!tpu.dma_semaphore, #tpu.memory_space<semaphore_mem>>
      %dma_start3A = arith.constant 0 : i32
      %dma_start3A_79 = tpu.memref_slice %arg5[%run_scoped3A_63, %dma_start3A] : memref<8x128xi32, #tpu.memory_space<vmem>> -> memref<1x128xi32, #tpu.memory_space<vmem>>
      %dma_start3A_80 = tpu.memref_squeeze %dma_start3A_79 : memref<1x128xi32, #tpu.memory_space<vmem>> -> memref<128xi32, #tpu.memory_space<vmem>>
      %dma_start3A_81 = arith.constant 0 : i32
      %dma_start3A_82 = tpu.memref_slice %arg9[%dma_start3A_81] : memref<1024xf32, #tpu.memory_space<vmem_shared>> -> memref<1024xf32, #tpu.memory_space<vmem_shared>>
      tpu.enqueue_indirect_dma source(%arg7 : memref<128xf32, #tpu.memory_space<vmem>>) target(%dma_start3A_82 : memref<1024xf32, #tpu.memory_space<vmem_shared>>) offsets(%dma_start3A_80 : memref<128xi32, #tpu.memory_space<vmem>>) semaphore(%run_scoped3A_78 : memref<!tpu.dma_semaphore, #tpu.memory_space<semaphore_mem>>) {add = true}
      %dma_wait3A = arith.constant 0 : i32
      %dma_wait3A_83 = tpu.memref_slice %arg5[%run_scoped3A_63, %dma_wait3A] : memref<8x128xi32, #tpu.memory_space<vmem>> -> memref<1x128xi32, #tpu.memory_space<vmem>>
      %dma_wait3A_84 = tpu.memref_squeeze %dma_wait3A_83 : memref<1x128xi32, #tpu.memory_space<vmem>> -> memref<128xi32, #tpu.memory_space<vmem>>
      %dma_wait3A_85 = arith.constant 0 : i32
      %dma_wait3A_86 = tpu.memref_slice %arg9[%dma_wait3A_85] : memref<1024xf32, #tpu.memory_space<vmem_shared>> -> memref<1024xf32, #tpu.memory_space<vmem_shared>>
      tpu.wait_indirect_dma semaphore(%run_scoped3A_78 : memref<!tpu.dma_semaphore, #tpu.memory_space<semaphore_mem>>) src(%arg7 : memref<128xf32, #tpu.memory_space<vmem>>) dst(%dma_wait3A_86 : memref<1024xf32, #tpu.memory_space<vmem_shared>>)
      tpu.yield
    }) : () -> ()
    %run_scoped3A_64 = arith.constant 5 : i32
    %run_scoped3A_65 = arith.constant 5 : i32
    "tpu.region"() ({
      %run_scoped3A_78 = tpu.sem_alloc : memref<!tpu.dma_semaphore, #tpu.memory_space<semaphore_mem>>
      %dma_start3A = arith.constant 0 : i32
      %dma_start3A_79 = tpu.memref_slice %arg6[%run_scoped3A_64, %dma_start3A] : memref<8x128xf32, #tpu.memory_space<vmem>> -> memref<1x128xf32, #tpu.memory_space<vmem>>
      %dma_start3A_80 = tpu.memref_squeeze %dma_start3A_79 : memref<1x128xf32, #tpu.memory_space<vmem>> -> memref<128xf32, #tpu.memory_space<vmem>>
      %dma_start3A_81 = arith.constant 0 : i32
      %dma_start3A_82 = tpu.memref_slice %arg5[%run_scoped3A_65, %dma_start3A_81] : memref<8x128xi32, #tpu.memory_space<vmem>> -> memref<1x128xi32, #tpu.memory_space<vmem>>
      %dma_start3A_83 = tpu.memref_squeeze %dma_start3A_82 : memref<1x128xi32, #tpu.memory_space<vmem>> -> memref<128xi32, #tpu.memory_space<vmem>>
      %dma_start3A_84 = arith.constant 0 : i32
      %dma_start3A_85 = tpu.memref_slice %arg10[%dma_start3A_84] : memref<1024xf32, #tpu.memory_space<vmem_shared>> -> memref<1024xf32, #tpu.memory_space<vmem_shared>>
      tpu.enqueue_indirect_dma source(%dma_start3A_80 : memref<128xf32, #tpu.memory_space<vmem>>) target(%dma_start3A_85 : memref<1024xf32, #tpu.memory_space<vmem_shared>>) offsets(%dma_start3A_83 : memref<128xi32, #tpu.memory_space<vmem>>) semaphore(%run_scoped3A_78 : memref<!tpu.dma_semaphore, #tpu.memory_space<semaphore_mem>>) {add = true}
      %dma_wait3A = arith.constant 0 : i32
      %dma_wait3A_86 = tpu.memref_slice %arg6[%run_scoped3A_64, %dma_wait3A] : memref<8x128xf32, #tpu.memory_space<vmem>> -> memref<1x128xf32, #tpu.memory_space<vmem>>
      %dma_wait3A_87 = tpu.memref_squeeze %dma_wait3A_86 : memref<1x128xf32, #tpu.memory_space<vmem>> -> memref<128xf32, #tpu.memory_space<vmem>>
      %dma_wait3A_88 = arith.constant 0 : i32
      %dma_wait3A_89 = tpu.memref_slice %arg5[%run_scoped3A_65, %dma_wait3A_88] : memref<8x128xi32, #tpu.memory_space<vmem>> -> memref<1x128xi32, #tpu.memory_space<vmem>>
      %dma_wait3A_90 = tpu.memref_squeeze %dma_wait3A_89 : memref<1x128xi32, #tpu.memory_space<vmem>> -> memref<128xi32, #tpu.memory_space<vmem>>
      %dma_wait3A_91 = arith.constant 0 : i32
      %dma_wait3A_92 = tpu.memref_slice %arg10[%dma_wait3A_91] : memref<1024xf32, #tpu.memory_space<vmem_shared>> -> memref<1024xf32, #tpu.memory_space<vmem_shared>>
      tpu.wait_indirect_dma semaphore(%run_scoped3A_78 : memref<!tpu.dma_semaphore, #tpu.memory_space<semaphore_mem>>) src(%dma_wait3A_87 : memref<128xf32, #tpu.memory_space<vmem>>) dst(%dma_wait3A_92 : memref<1024xf32, #tpu.memory_space<vmem_shared>>)
      tpu.yield
    }) : () -> ()
    %run_scoped3A_66 = arith.constant 6 : i32
    "tpu.region"() ({
      %run_scoped3A_78 = tpu.sem_alloc : memref<!tpu.dma_semaphore, #tpu.memory_space<semaphore_mem>>
      %dma_start3A = arith.constant 0 : i32
      %dma_start3A_79 = tpu.memref_slice %arg5[%run_scoped3A_66, %dma_start3A] : memref<8x128xi32, #tpu.memory_space<vmem>> -> memref<1x128xi32, #tpu.memory_space<vmem>>
      %dma_start3A_80 = tpu.memref_squeeze %dma_start3A_79 : memref<1x128xi32, #tpu.memory_space<vmem>> -> memref<128xi32, #tpu.memory_space<vmem>>
      %dma_start3A_81 = arith.constant 0 : i32
      %dma_start3A_82 = tpu.memref_slice %arg9[%dma_start3A_81] : memref<1024xf32, #tpu.memory_space<vmem_shared>> -> memref<1024xf32, #tpu.memory_space<vmem_shared>>
      tpu.enqueue_indirect_dma source(%arg7 : memref<128xf32, #tpu.memory_space<vmem>>) target(%dma_start3A_82 : memref<1024xf32, #tpu.memory_space<vmem_shared>>) offsets(%dma_start3A_80 : memref<128xi32, #tpu.memory_space<vmem>>) semaphore(%run_scoped3A_78 : memref<!tpu.dma_semaphore, #tpu.memory_space<semaphore_mem>>) {add = true}
      %dma_wait3A = arith.constant 0 : i32
      %dma_wait3A_83 = tpu.memref_slice %arg5[%run_scoped3A_66, %dma_wait3A] : memref<8x128xi32, #tpu.memory_space<vmem>> -> memref<1x128xi32, #tpu.memory_space<vmem>>
      %dma_wait3A_84 = tpu.memref_squeeze %dma_wait3A_83 : memref<1x128xi32, #tpu.memory_space<vmem>> -> memref<128xi32, #tpu.memory_space<vmem>>
      %dma_wait3A_85 = arith.constant 0 : i32
      %dma_wait3A_86 = tpu.memref_slice %arg9[%dma_wait3A_85] : memref<1024xf32, #tpu.memory_space<vmem_shared>> -> memref<1024xf32, #tpu.memory_space<vmem_shared>>
      tpu.wait_indirect_dma semaphore(%run_scoped3A_78 : memref<!tpu.dma_semaphore, #tpu.memory_space<semaphore_mem>>) src(%arg7 : memref<128xf32, #tpu.memory_space<vmem>>) dst(%dma_wait3A_86 : memref<1024xf32, #tpu.memory_space<vmem_shared>>)
      tpu.yield
    }) : () -> ()
    %run_scoped3A_67 = arith.constant 6 : i32
    %run_scoped3A_68 = arith.constant 6 : i32
    "tpu.region"() ({
      %run_scoped3A_78 = tpu.sem_alloc : memref<!tpu.dma_semaphore, #tpu.memory_space<semaphore_mem>>
      %dma_start3A = arith.constant 0 : i32
      %dma_start3A_79 = tpu.memref_slice %arg6[%run_scoped3A_67, %dma_start3A] : memref<8x128xf32, #tpu.memory_space<vmem>> -> memref<1x128xf32, #tpu.memory_space<vmem>>
      %dma_start3A_80 = tpu.memref_squeeze %dma_start3A_79 : memref<1x128xf32, #tpu.memory_space<vmem>> -> memref<128xf32, #tpu.memory_space<vmem>>
      %dma_start3A_81 = arith.constant 0 : i32
      %dma_start3A_82 = tpu.memref_slice %arg5[%run_scoped3A_68, %dma_start3A_81] : memref<8x128xi32, #tpu.memory_space<vmem>> -> memref<1x128xi32, #tpu.memory_space<vmem>>
      %dma_start3A_83 = tpu.memref_squeeze %dma_start3A_82 : memref<1x128xi32, #tpu.memory_space<vmem>> -> memref<128xi32, #tpu.memory_space<vmem>>
      %dma_start3A_84 = arith.constant 0 : i32
      %dma_start3A_85 = tpu.memref_slice %arg10[%dma_start3A_84] : memref<1024xf32, #tpu.memory_space<vmem_shared>> -> memref<1024xf32, #tpu.memory_space<vmem_shared>>
      tpu.enqueue_indirect_dma source(%dma_start3A_80 : memref<128xf32, #tpu.memory_space<vmem>>) target(%dma_start3A_85 : memref<1024xf32, #tpu.memory_space<vmem_shared>>) offsets(%dma_start3A_83 : memref<128xi32, #tpu.memory_space<vmem>>) semaphore(%run_scoped3A_78 : memref<!tpu.dma_semaphore, #tpu.memory_space<semaphore_mem>>) {add = true}
      %dma_wait3A = arith.constant 0 : i32
      %dma_wait3A_86 = tpu.memref_slice %arg6[%run_scoped3A_67, %dma_wait3A] : memref<8x128xf32, #tpu.memory_space<vmem>> -> memref<1x128xf32, #tpu.memory_space<vmem>>
      %dma_wait3A_87 = tpu.memref_squeeze %dma_wait3A_86 : memref<1x128xf32, #tpu.memory_space<vmem>> -> memref<128xf32, #tpu.memory_space<vmem>>
      %dma_wait3A_88 = arith.constant 0 : i32
      %dma_wait3A_89 = tpu.memref_slice %arg5[%run_scoped3A_68, %dma_wait3A_88] : memref<8x128xi32, #tpu.memory_space<vmem>> -> memref<1x128xi32, #tpu.memory_space<vmem>>
      %dma_wait3A_90 = tpu.memref_squeeze %dma_wait3A_89 : memref<1x128xi32, #tpu.memory_space<vmem>> -> memref<128xi32, #tpu.memory_space<vmem>>
      %dma_wait3A_91 = arith.constant 0 : i32
      %dma_wait3A_92 = tpu.memref_slice %arg10[%dma_wait3A_91] : memref<1024xf32, #tpu.memory_space<vmem_shared>> -> memref<1024xf32, #tpu.memory_space<vmem_shared>>
      tpu.wait_indirect_dma semaphore(%run_scoped3A_78 : memref<!tpu.dma_semaphore, #tpu.memory_space<semaphore_mem>>) src(%dma_wait3A_87 : memref<128xf32, #tpu.memory_space<vmem>>) dst(%dma_wait3A_92 : memref<1024xf32, #tpu.memory_space<vmem_shared>>)
      tpu.yield
    }) : () -> ()
    %run_scoped3A_69 = arith.constant 7 : i32
    "tpu.region"() ({
      %run_scoped3A_78 = tpu.sem_alloc : memref<!tpu.dma_semaphore, #tpu.memory_space<semaphore_mem>>
      %dma_start3A = arith.constant 0 : i32
      %dma_start3A_79 = tpu.memref_slice %arg5[%run_scoped3A_69, %dma_start3A] : memref<8x128xi32, #tpu.memory_space<vmem>> -> memref<1x128xi32, #tpu.memory_space<vmem>>
      %dma_start3A_80 = tpu.memref_squeeze %dma_start3A_79 : memref<1x128xi32, #tpu.memory_space<vmem>> -> memref<128xi32, #tpu.memory_space<vmem>>
      %dma_start3A_81 = arith.constant 0 : i32
      %dma_start3A_82 = tpu.memref_slice %arg9[%dma_start3A_81] : memref<1024xf32, #tpu.memory_space<vmem_shared>> -> memref<1024xf32, #tpu.memory_space<vmem_shared>>
      tpu.enqueue_indirect_dma source(%arg7 : memref<128xf32, #tpu.memory_space<vmem>>) target(%dma_start3A_82 : memref<1024xf32, #tpu.memory_space<vmem_shared>>) offsets(%dma_start3A_80 : memref<128xi32, #tpu.memory_space<vmem>>) semaphore(%run_scoped3A_78 : memref<!tpu.dma_semaphore, #tpu.memory_space<semaphore_mem>>) {add = true}
      %dma_wait3A = arith.constant 0 : i32
      %dma_wait3A_83 = tpu.memref_slice %arg5[%run_scoped3A_69, %dma_wait3A] : memref<8x128xi32, #tpu.memory_space<vmem>> -> memref<1x128xi32, #tpu.memory_space<vmem>>
      %dma_wait3A_84 = tpu.memref_squeeze %dma_wait3A_83 : memref<1x128xi32, #tpu.memory_space<vmem>> -> memref<128xi32, #tpu.memory_space<vmem>>
      %dma_wait3A_85 = arith.constant 0 : i32
      %dma_wait3A_86 = tpu.memref_slice %arg9[%dma_wait3A_85] : memref<1024xf32, #tpu.memory_space<vmem_shared>> -> memref<1024xf32, #tpu.memory_space<vmem_shared>>
      tpu.wait_indirect_dma semaphore(%run_scoped3A_78 : memref<!tpu.dma_semaphore, #tpu.memory_space<semaphore_mem>>) src(%arg7 : memref<128xf32, #tpu.memory_space<vmem>>) dst(%dma_wait3A_86 : memref<1024xf32, #tpu.memory_space<vmem_shared>>)
      tpu.yield
    }) : () -> ()
    %run_scoped3A_70 = arith.constant 7 : i32
    %run_scoped3A_71 = arith.constant 7 : i32
    "tpu.region"() ({
      %run_scoped3A_78 = tpu.sem_alloc : memref<!tpu.dma_semaphore, #tpu.memory_space<semaphore_mem>>
      %dma_start3A = arith.constant 0 : i32
      %dma_start3A_79 = tpu.memref_slice %arg6[%run_scoped3A_70, %dma_start3A] : memref<8x128xf32, #tpu.memory_space<vmem>> -> memref<1x128xf32, #tpu.memory_space<vmem>>
      %dma_start3A_80 = tpu.memref_squeeze %dma_start3A_79 : memref<1x128xf32, #tpu.memory_space<vmem>> -> memref<128xf32, #tpu.memory_space<vmem>>
      %dma_start3A_81 = arith.constant 0 : i32
      %dma_start3A_82 = tpu.memref_slice %arg5[%run_scoped3A_71, %dma_start3A_81] : memref<8x128xi32, #tpu.memory_space<vmem>> -> memref<1x128xi32, #tpu.memory_space<vmem>>
      %dma_start3A_83 = tpu.memref_squeeze %dma_start3A_82 : memref<1x128xi32, #tpu.memory_space<vmem>> -> memref<128xi32, #tpu.memory_space<vmem>>
      %dma_start3A_84 = arith.constant 0 : i32
      %dma_start3A_85 = tpu.memref_slice %arg10[%dma_start3A_84] : memref<1024xf32, #tpu.memory_space<vmem_shared>> -> memref<1024xf32, #tpu.memory_space<vmem_shared>>
      tpu.enqueue_indirect_dma source(%dma_start3A_80 : memref<128xf32, #tpu.memory_space<vmem>>) target(%dma_start3A_85 : memref<1024xf32, #tpu.memory_space<vmem_shared>>) offsets(%dma_start3A_83 : memref<128xi32, #tpu.memory_space<vmem>>) semaphore(%run_scoped3A_78 : memref<!tpu.dma_semaphore, #tpu.memory_space<semaphore_mem>>) {add = true}
      %dma_wait3A = arith.constant 0 : i32
      %dma_wait3A_86 = tpu.memref_slice %arg6[%run_scoped3A_70, %dma_wait3A] : memref<8x128xf32, #tpu.memory_space<vmem>> -> memref<1x128xf32, #tpu.memory_space<vmem>>
      %dma_wait3A_87 = tpu.memref_squeeze %dma_wait3A_86 : memref<1x128xf32, #tpu.memory_space<vmem>> -> memref<128xf32, #tpu.memory_space<vmem>>
      %dma_wait3A_88 = arith.constant 0 : i32
      %dma_wait3A_89 = tpu.memref_slice %arg5[%run_scoped3A_71, %dma_wait3A_88] : memref<8x128xi32, #tpu.memory_space<vmem>> -> memref<1x128xi32, #tpu.memory_space<vmem>>
      %dma_wait3A_90 = tpu.memref_squeeze %dma_wait3A_89 : memref<1x128xi32, #tpu.memory_space<vmem>> -> memref<128xi32, #tpu.memory_space<vmem>>
      %dma_wait3A_91 = arith.constant 0 : i32
      %dma_wait3A_92 = tpu.memref_slice %arg10[%dma_wait3A_91] : memref<1024xf32, #tpu.memory_space<vmem_shared>> -> memref<1024xf32, #tpu.memory_space<vmem_shared>>
      tpu.wait_indirect_dma semaphore(%run_scoped3A_78 : memref<!tpu.dma_semaphore, #tpu.memory_space<semaphore_mem>>) src(%dma_wait3A_87 : memref<128xf32, #tpu.memory_space<vmem>>) dst(%dma_wait3A_92 : memref<1024xf32, #tpu.memory_space<vmem_shared>>)
      tpu.yield
    }) : () -> ()
    %barrier3A_72 = arith.constant 0 : index
    tpu.barrier barrier_id(%barrier3A_72)
    %eq3A_73 = arith.constant 0 : i32
    %eq3A_74 = arith.cmpi eq, %arg1, %eq3A_73 : i32
    %convert_element_type3A_75 = arith.extui %eq3A_74 : i1 to i32
    %cond3A_76 = arith.constant 0 : i32
    %cond3A_77 = arith.cmpi ne, %convert_element_type3A_75, %cond3A_76 : i32
    scf.if %cond3A_77 {
      "tpu.region"() ({
        %run_scoped3A_198 = tpu.sem_alloc : memref<!tpu.dma_semaphore, #tpu.memory_space<semaphore_mem>>
        tpu.enqueue_dma source(%arg9 : memref<1024xf32, #tpu.memory_space<vmem_shared>>) target(%arg11 : memref<1024xf32, #tpu.memory_space<vmem>>) target_semaphore(%run_scoped3A_198 : memref<!tpu.dma_semaphore, #tpu.memory_space<semaphore_mem>>)
        tpu.wait_dma2 semaphore(%run_scoped3A_198 : memref<!tpu.dma_semaphore, #tpu.memory_space<semaphore_mem>>) src(%arg9 : memref<1024xf32, #tpu.memory_space<vmem_shared>>) dst(%arg11 : memref<1024xf32, #tpu.memory_space<vmem>>)
        tpu.yield
      }) : () -> ()
      "tpu.region"() ({
        %run_scoped3A_198 = tpu.sem_alloc : memref<!tpu.dma_semaphore, #tpu.memory_space<semaphore_mem>>
        tpu.enqueue_dma source(%arg10 : memref<1024xf32, #tpu.memory_space<vmem_shared>>) target(%arg12 : memref<1024xf32, #tpu.memory_space<vmem>>) target_semaphore(%run_scoped3A_198 : memref<!tpu.dma_semaphore, #tpu.memory_space<semaphore_mem>>)
        tpu.wait_dma2 semaphore(%run_scoped3A_198 : memref<!tpu.dma_semaphore, #tpu.memory_space<semaphore_mem>>) src(%arg10 : memref<1024xf32, #tpu.memory_space<vmem_shared>>) dst(%arg12 : memref<1024xf32, #tpu.memory_space<vmem>>)
        tpu.yield
      }) : () -> ()
      %broadcast_in_dim3A_78 = arith.constant 0.000000e+00 : f32
      %broadcast_in_dim3A_79 = vector.broadcast %broadcast_in_dim3A_78 : f32 to vector<16xf32>
      %scan3A = arith.constant 1.000000e+00 : f32
      %scan3A_80 = arith.constant -1.000050e-04 : f32
      %scan3A_81 = arith.constant 0 : i32
      %scan3A_82 = arith.constant 64 : i32
      %scan3A_83 = arith.addi %scan3A_81, %scan3A_82 : i32
      %scan3A_84 = arith.constant 1 : i32
      %scan3A_85:2 = scf.for %scan3A_198 = %scan3A_81 to %scan3A_83 step %scan3A_84 iter_args(%scan3A_199 = %broadcast_in_dim3A_79, %scan3A_200 = %broadcast_in_dim3A_79) -> (vector<16xf32>, vector<16xf32>)  : i32 {
        %mul3A_201 = arith.constant 16 : i32
        %mul3A_202 = arith.muli %scan3A_198, %mul3A_201 : i32
        %multiple_of3A = tpu.assume_multiple %mul3A_202, 16 : i32
        %get3A = arith.index_cast %multiple_of3A : i32 to index
        %get3A_203 = tpu.vector_load %arg11[%get3A] {strides = array<i32>} : memref<1024xf32, #tpu.memory_space<vmem>>, vector<16xf32>,
        %get3A_204 = vector.shape_cast %get3A_203 : vector<16xf32> to vector<16xf32>
        %get3A_205 = arith.index_cast %multiple_of3A : i32 to index
        %get3A_206 = tpu.vector_load %arg12[%get3A_205] {strides = array<i32>} : memref<1024xf32, #tpu.memory_space<vmem>>, vector<16xf32>,
        %get3A_207 = vector.shape_cast %get3A_206 : vector<16xf32> to vector<16xf32>
        %max3A = arith.constant 1.000000e+00 : f32
        %max3A_208 = vector.broadcast %max3A : f32 to vector<16xf32>
        %max3A_209 = arith.maximumf %get3A_204, %max3A_208 : vector<16xf32>
        %sub3A = arith.constant 0.999899983 : f32
        %sub3A_210 = arith.subf %scan3A, %sub3A : f32
        %mul3A_211 = vector.broadcast %scan3A_80 : f32 to vector<16xf32>
        %mul3A_212 = arith.mulf %max3A_209, %mul3A_211 : vector<16xf32>
        %exp3A = math.exp %mul3A_212 : vector<16xf32>
        %sub3A_213 = vector.broadcast %scan3A : f32 to vector<16xf32>
        %sub3A_214 = arith.subf %sub3A_213, %exp3A : vector<16xf32>
        %div3A_215 = vector.broadcast %sub3A_210 : f32 to vector<16xf32>
        %div3A_216 = arith.divf %div3A_215, %sub3A_214 : vector<16xf32>
        %mul3A_217 = arith.mulf %div3A_216, %get3A_207 : vector<16xf32>
        %add3A_218 = arith.addf %scan3A_199, %mul3A_217 : vector<16xf32>
        %mul3A_219 = arith.mulf %div3A_216, %get3A_204 : vector<16xf32>
        %add3A_220 = arith.addf %scan3A_200, %mul3A_219 : vector<16xf32>
        scf.yield %add3A_218, %add3A_220 : vector<16xf32>, vector<16xf32>
      }
      %scan3A_86 = arith.constant 64 : i32
      %iota3A = tpu.iota {dimensions = array<i32: 0>} : vector<16xi32>
      %add3A = arith.constant 8 : i32
      %add3A_87 = vector.broadcast %add3A : i32 to vector<16xi32>
      %add3A_88 = arith.addi %iota3A, %add3A_87 : vector<16xi32>
      %and3A = arith.constant 15 : i32
      %and3A_89 = vector.broadcast %and3A : i32 to vector<16xi32>
      %and3A_90 = arith.andi %add3A_88, %and3A_89 : vector<16xi32>
      %lt3A = arith.constant 0 : i32
      %lt3A_91 = vector.broadcast %lt3A : i32 to vector<16xi32>
      %lt3A_92 = arith.cmpi slt, %and3A_90, %lt3A_91 : vector<16xi32>
      %add3A_93 = arith.constant 16 : i32
      %add3A_94 = vector.broadcast %add3A_93 : i32 to vector<16xi32>
      %add3A_95 = arith.addi %and3A_90, %add3A_94 : vector<16xi32>
      %select_n3A = arith.select %lt3A_92, %add3A_95, %and3A_90 : vector<16xi1>, vector<16xi32>
      %broadcast_in_dim3A_96 = vector.shape_cast %select_n3A : vector<16xi32> to vector<16x1xi32>
      %gather3A = vector.shape_cast %broadcast_in_dim3A_96 : vector<16x1xi32> to vector<16xi32>
      %gather3A_97 = tpu.dynamic_gather %scan3A_85#0[%gather3A] in [0] : vector<16xf32>, vector<16xi32> -> vector<16xf32>
      %add3A_98 = arith.addf %scan3A_85#0, %gather3A_97 : vector<16xf32>
      %lt3A_99 = arith.constant 0 : i32
      %lt3A_100 = vector.broadcast %lt3A_99 : i32 to vector<16xi32>
      %lt3A_101 = arith.cmpi slt, %and3A_90, %lt3A_100 : vector<16xi32>
      %add3A_102 = arith.constant 16 : i32
      %add3A_103 = vector.broadcast %add3A_102 : i32 to vector<16xi32>
      %add3A_104 = arith.addi %and3A_90, %add3A_103 : vector<16xi32>
      %select_n3A_105 = arith.select %lt3A_101, %add3A_104, %and3A_90 : vector<16xi1>, vector<16xi32>
      %broadcast_in_dim3A_106 = vector.shape_cast %select_n3A_105 : vector<16xi32> to vector<16x1xi32>
      %gather3A_107 = vector.shape_cast %broadcast_in_dim3A_106 : vector<16x1xi32> to vector<16xi32>
      %gather3A_108 = tpu.dynamic_gather %scan3A_85#1[%gather3A_107] in [0] : vector<16xf32>, vector<16xi32> -> vector<16xf32>
      %add3A_109 = arith.addf %scan3A_85#1, %gather3A_108 : vector<16xf32>
      %add3A_110 = arith.constant 4 : i32
      %add3A_111 = vector.broadcast %add3A_110 : i32 to vector<16xi32>
      %add3A_112 = arith.addi %iota3A, %add3A_111 : vector<16xi32>
      %and3A_113 = arith.constant 15 : i32
      %and3A_114 = vector.broadcast %and3A_113 : i32 to vector<16xi32>
      %and3A_115 = arith.andi %add3A_112, %and3A_114 : vector<16xi32>
      %lt3A_116 = arith.constant 0 : i32
      %lt3A_117 = vector.broadcast %lt3A_116 : i32 to vector<16xi32>
      %lt3A_118 = arith.cmpi slt, %and3A_115, %lt3A_117 : vector<16xi32>
      %add3A_119 = arith.constant 16 : i32
      %add3A_120 = vector.broadcast %add3A_119 : i32 to vector<16xi32>
      %add3A_121 = arith.addi %and3A_115, %add3A_120 : vector<16xi32>
      %select_n3A_122 = arith.select %lt3A_118, %add3A_121, %and3A_115 : vector<16xi1>, vector<16xi32>
      %broadcast_in_dim3A_123 = vector.shape_cast %select_n3A_122 : vector<16xi32> to vector<16x1xi32>
      %gather3A_124 = vector.shape_cast %broadcast_in_dim3A_123 : vector<16x1xi32> to vector<16xi32>
      %gather3A_125 = tpu.dynamic_gather %add3A_98[%gather3A_124] in [0] : vector<16xf32>, vector<16xi32> -> vector<16xf32>
      %add3A_126 = arith.addf %add3A_98, %gather3A_125 : vector<16xf32>
      %lt3A_127 = arith.constant 0 : i32
      %lt3A_128 = vector.broadcast %lt3A_127 : i32 to vector<16xi32>
      %lt3A_129 = arith.cmpi slt, %and3A_115, %lt3A_128 : vector<16xi32>
      %add3A_130 = arith.constant 16 : i32
      %add3A_131 = vector.broadcast %add3A_130 : i32 to vector<16xi32>
      %add3A_132 = arith.addi %and3A_115, %add3A_131 : vector<16xi32>
      %select_n3A_133 = arith.select %lt3A_129, %add3A_132, %and3A_115 : vector<16xi1>, vector<16xi32>
      %broadcast_in_dim3A_134 = vector.shape_cast %select_n3A_133 : vector<16xi32> to vector<16x1xi32>
      %gather3A_135 = vector.shape_cast %broadcast_in_dim3A_134 : vector<16x1xi32> to vector<16xi32>
      %gather3A_136 = tpu.dynamic_gather %add3A_109[%gather3A_135] in [0] : vector<16xf32>, vector<16xi32> -> vector<16xf32>
      %add3A_137 = arith.addf %add3A_109, %gather3A_136 : vector<16xf32>
      %add3A_138 = arith.constant 2 : i32
      %add3A_139 = vector.broadcast %add3A_138 : i32 to vector<16xi32>
      %add3A_140 = arith.addi %iota3A, %add3A_139 : vector<16xi32>
      %and3A_141 = arith.constant 15 : i32
      %and3A_142 = vector.broadcast %and3A_141 : i32 to vector<16xi32>
      %and3A_143 = arith.andi %add3A_140, %and3A_142 : vector<16xi32>
      %lt3A_144 = arith.constant 0 : i32
      %lt3A_145 = vector.broadcast %lt3A_144 : i32 to vector<16xi32>
      %lt3A_146 = arith.cmpi slt, %and3A_143, %lt3A_145 : vector<16xi32>
      %add3A_147 = arith.constant 16 : i32
      %add3A_148 = vector.broadcast %add3A_147 : i32 to vector<16xi32>
      %add3A_149 = arith.addi %and3A_143, %add3A_148 : vector<16xi32>
      %select_n3A_150 = arith.select %lt3A_146, %add3A_149, %and3A_143 : vector<16xi1>, vector<16xi32>
      %broadcast_in_dim3A_151 = vector.shape_cast %select_n3A_150 : vector<16xi32> to vector<16x1xi32>
      %gather3A_152 = vector.shape_cast %broadcast_in_dim3A_151 : vector<16x1xi32> to vector<16xi32>
      %gather3A_153 = tpu.dynamic_gather %add3A_126[%gather3A_152] in [0] : vector<16xf32>, vector<16xi32> -> vector<16xf32>
      %add3A_154 = arith.addf %add3A_126, %gather3A_153 : vector<16xf32>
      %lt3A_155 = arith.constant 0 : i32
      %lt3A_156 = vector.broadcast %lt3A_155 : i32 to vector<16xi32>
      %lt3A_157 = arith.cmpi slt, %and3A_143, %lt3A_156 : vector<16xi32>
      %add3A_158 = arith.constant 16 : i32
      %add3A_159 = vector.broadcast %add3A_158 : i32 to vector<16xi32>
      %add3A_160 = arith.addi %and3A_143, %add3A_159 : vector<16xi32>
      %select_n3A_161 = arith.select %lt3A_157, %add3A_160, %and3A_143 : vector<16xi1>, vector<16xi32>
      %broadcast_in_dim3A_162 = vector.shape_cast %select_n3A_161 : vector<16xi32> to vector<16x1xi32>
      %gather3A_163 = vector.shape_cast %broadcast_in_dim3A_162 : vector<16x1xi32> to vector<16xi32>
      %gather3A_164 = tpu.dynamic_gather %add3A_137[%gather3A_163] in [0] : vector<16xf32>, vector<16xi32> -> vector<16xf32>
      %add3A_165 = arith.addf %add3A_137, %gather3A_164 : vector<16xf32>
      %add3A_166 = arith.constant 1 : i32
      %add3A_167 = vector.broadcast %add3A_166 : i32 to vector<16xi32>
      %add3A_168 = arith.addi %iota3A, %add3A_167 : vector<16xi32>
      %and3A_169 = arith.constant 15 : i32
      %and3A_170 = vector.broadcast %and3A_169 : i32 to vector<16xi32>
      %and3A_171 = arith.andi %add3A_168, %and3A_170 : vector<16xi32>
      %lt3A_172 = arith.constant 0 : i32
      %lt3A_173 = vector.broadcast %lt3A_172 : i32 to vector<16xi32>
      %lt3A_174 = arith.cmpi slt, %and3A_171, %lt3A_173 : vector<16xi32>
      %add3A_175 = arith.constant 16 : i32
      %add3A_176 = vector.broadcast %add3A_175 : i32 to vector<16xi32>
      %add3A_177 = arith.addi %and3A_171, %add3A_176 : vector<16xi32>
      %select_n3A_178 = arith.select %lt3A_174, %add3A_177, %and3A_171 : vector<16xi1>, vector<16xi32>
      %broadcast_in_dim3A_179 = vector.shape_cast %select_n3A_178 : vector<16xi32> to vector<16x1xi32>
      %gather3A_180 = vector.shape_cast %broadcast_in_dim3A_179 : vector<16x1xi32> to vector<16xi32>
      %gather3A_181 = tpu.dynamic_gather %add3A_154[%gather3A_180] in [0] : vector<16xf32>, vector<16xi32> -> vector<16xf32>
      %add3A_182 = arith.addf %add3A_154, %gather3A_181 : vector<16xf32>
      %lt3A_183 = arith.constant 0 : i32
      %lt3A_184 = vector.broadcast %lt3A_183 : i32 to vector<16xi32>
      %lt3A_185 = arith.cmpi slt, %and3A_171, %lt3A_184 : vector<16xi32>
      %add3A_186 = arith.constant 16 : i32
      %add3A_187 = vector.broadcast %add3A_186 : i32 to vector<16xi32>
      %add3A_188 = arith.addi %and3A_171, %add3A_187 : vector<16xi32>
      %select_n3A_189 = arith.select %lt3A_185, %add3A_188, %and3A_171 : vector<16xi1>, vector<16xi32>
      %broadcast_in_dim3A_190 = vector.shape_cast %select_n3A_189 : vector<16xi32> to vector<16x1xi32>
      %gather3A_191 = vector.shape_cast %broadcast_in_dim3A_190 : vector<16x1xi32> to vector<16xi32>
      %gather3A_192 = tpu.dynamic_gather %add3A_165[%gather3A_191] in [0] : vector<16xf32>, vector<16xi32> -> vector<16xf32>
      %add3A_193 = arith.addf %add3A_165, %gather3A_192 : vector<16xf32>
      %div3A = arith.divf %add3A_182, %add3A_193 : vector<16xf32>
      %swap3A_194 = arith.constant 0 : index
      %swap3A_195 = tpu.vector_load %arg13[%swap3A_194] {strides = array<i32>} : memref<16xf32, #tpu.memory_space<vmem>>, vector<16xf32>,
      %swap3A_196 = vector.shape_cast %swap3A_195 : vector<16xf32> to vector<16xf32>
      %swap3A_197 = vector.shape_cast %div3A : vector<16xf32> to vector<16xf32>
      tpu.vector_store %arg13[%swap3A_194], %swap3A_197 {strides = array<i32>} : memref<16xf32, #tpu.memory_space<vmem>>, vector<16xf32>,
      "tpu.region"() ({
        %run_scoped3A_198 = tpu.sem_alloc : memref<!tpu.dma_semaphore, #tpu.memory_space<semaphore_mem>>
        tpu.enqueue_dma source(%arg13 : memref<16xf32, #tpu.memory_space<vmem>>) target(%arg4 : memref<16xf32, #tpu.memory_space<hbm>>) target_semaphore(%run_scoped3A_198 : memref<!tpu.dma_semaphore, #tpu.memory_space<semaphore_mem>>)
        tpu.wait_dma2 semaphore(%run_scoped3A_198 : memref<!tpu.dma_semaphore, #tpu.memory_space<semaphore_mem>>) src(%arg13 : memref<16xf32, #tpu.memory_space<vmem>>) dst(%arg4 : memref<16xf32, #tpu.memory_space<hbm>>)
        tpu.yield
      }) : () -> ()
    } else {
    }
    return
  }
}

module attributes {stable_mosaic.version = 14 : i64} {
  func.func @_nll_kernel(%arg0: i32, %arg1: memref<1024x1000xf32, #tpu.memory_space<vmem>>, %arg2: memref<16x1x1024xi32, #tpu.memory_space<vmem>>, %arg3: memref<8x128xf32, #tpu.memory_space<vmem>>) attributes {dimension_semantics = [#tpu.dimension_semantics<arbitrary>], iteration_bounds = array<i64: 16>, scalar_prefetch = 0 : i64, scratch_operands = 0 : i64, tpu.core_type = #tpu.core_type<tc>, window_params = [{transform_indices = @transform_0, window_bounds = array<i64: 1024, 1000>}, {pipeline_mode = #tpu.pipeline_mode<synchronous>, transform_indices = @transform_1, window_bounds = array<i64: 16, 1, 1024>}, {transform_indices = @transform_2, window_bounds = array<i64: 8, 128>}]} {
    %get3A = arith.constant 0 : index
    %get3A_0 = arith.constant 0 : index
    %get3A_1 = vector.load %arg1[%get3A, %get3A_0] : memref<1024x1000xf32, #tpu.memory_space<vmem>>, vector<1024x1000xf32>
    %get3A_2 = arith.index_cast %arg0 : i32 to index
    %get3A_3 = arith.constant 0 : index
    %get3A_4 = arith.constant 0 : index
    %get3A_5 = vector.load %arg2[%get3A_2, %get3A_3, %get3A_4] : memref<16x1x1024xi32, #tpu.memory_space<vmem>>, vector<1x1x1024xi32>
    %get3A_6 = vector.shape_cast %get3A_5 : vector<1x1x1024xi32> to vector<1024xi32>
    %exp3A = math.exp %get3A_1 : vector<1024x1000xf32>
    %reduce_sum3A = arith.constant dense<0.000000e+00> : vector<1024xf32>
    %reduce_sum3A_7 = vector.multi_reduction <add>, %exp3A, %reduce_sum3A [1] : vector<1024x1000xf32> to vector<1024xf32>
    %iota3A = tpu.iota {dimensions = array<i32: 1>} : vector<1024x1000xi32>
    %broadcast_in_dim3A = vector.shape_cast %get3A_6 : vector<1024xi32> to vector<1024x1xi32>
    %eq3A = vector.broadcast %broadcast_in_dim3A : vector<1024x1xi32> to vector<1024x1000xi32>
    %eq3A_8 = arith.cmpi eq, %iota3A, %eq3A : vector<1024x1000xi32>
    %jit3A = arith.constant 0.000000e+00 : f32
    %broadcast_in_dim3A_9 = vector.broadcast %jit3A : f32 to vector<1024x1000xf32>
    %select_n3A = arith.select %eq3A_8, %get3A_1, %broadcast_in_dim3A_9 : vector<1024x1000xi1>, vector<1024x1000xf32>
    %reduce_sum3A_10 = arith.constant dense<0.000000e+00> : vector<1024xf32>
    %reduce_sum3A_11 = vector.multi_reduction <add>, %select_n3A, %reduce_sum3A_10 [1] : vector<1024x1000xf32> to vector<1024xf32>
    %log3A = math.log %reduce_sum3A_7 : vector<1024xf32>
    %sub3A = arith.subf %log3A, %reduce_sum3A_11 : vector<1024xf32>
    %reshape3A = vector.shape_cast %sub3A : vector<1024xf32> to vector<8x128xf32>
    %swap3A = arith.constant 0 : index
    %swap3A_12 = arith.constant 0 : index
    %swap3A_13 = vector.load %arg3[%swap3A, %swap3A_12] : memref<8x128xf32, #tpu.memory_space<vmem>>, vector<8x128xf32>
    tpu.vector_store %arg3[%swap3A, %swap3A_12], %reshape3A {strides = array<i32>} : memref<8x128xf32, #tpu.memory_space<vmem>>, vector<8x128xf32>,
    return
  }
  func.func @transform_0(%arg0: i32) -> (i32, i32) {
    %c0_i32 = arith.constant 0 : i32
    %c0_i32_0 = arith.constant 0 : i32
    return %arg0, %c0_i32 : i32, i32
  }
  func.func @transform_1(%arg0: i32) -> (i32, i32, i32) {
    %c0_i32 = arith.constant 0 : i32
    %c0_i32_0 = arith.constant 0 : i32
    %c0_i32_1 = arith.constant 0 : i32
    %c0_i32_2 = arith.constant 0 : i32
    return %c0_i32, %c0_i32_0, %c0_i32_1 : i32, i32, i32
  }
  func.func @transform_2(%arg0: i32) -> (i32, i32) {
    %c0_i32 = arith.constant 0 : i32
    %c0_i32_0 = arith.constant 0 : i32
    return %arg0, %c0_i32 : i32, i32
  }
}

</mosaic_0001>

<sc_bundles>
// kernel: kernel.4.cloned.1.call-start
scs
__scs_entry_jumppad:
0x0: {  	(pc) =	sbr.rel $0x88, $3  }
0x1: {  	(tag) =	ssettag $0x0;
	lr =	simm.s32 $0x1  }
0x2: {  	[smem:$0x3F9F] =	sst lr;
	_ =	strace $0xD0000000  }
0x3: {  	_ = 	snop  }
0x4: {  	_ = 	snop  }
0x5: {  	_ = 	snop  }
0x6: {  	_ = 	snop  }
0x7: {  	_ = 	snop  }
__scs_overlays_trampoline_lowered:
0x8: {  	[smem:$0x3FAE] =	sst s0  }
0x9: {  	[smem:$0x3FAF] =	sst s1  }
0xa: {  	[smem:$0x3FB0] =	sst s2  }
0xb: {  	[smem:$0x3FB1] =	sst s3  }
0xc: {  	[smem:$0x3FB2] =	sst s4  }
0xd: {  	[smem:$0x3FB3] =	sst s5  }
0xe: {  	[smem:$0x3FB4] =	sst s6  }
0xf: {  	[smem:$0x3FB5] =	sst s7  }
0x10: {  	[smem:$0x3FB6] =	sst s8  }
0x11: {  	[smem:$0x3FB7] =	sst s9;
	s0 =	simm.s32 @!p0 $0x0  }
0x12: {  	s1 =	sld [smem:$0x3F9D];
	s0 =	simm.s32 @p0 $0x1  }
0x13: {  	[smem:$0x3FB8] =	sst s0;
	s0 =	simm.s32 @!p1 $0x0  }
0x14: {  	s2 =	sld [smem:$0x3F9C];
	s0 =	simm.s32 @p1 $0x1  }
0x15: {  	[smem:$0x3FB9] =	sst s0;
	s0 =	simm.s32 @!p2 $0x0  }
0x16: {  	s3 =	sld [smem:$0x3FDB];
	s0 =	simm.s32 @p2 $0x1  }
0x17: {  	s4 =	simm.s32 $0x1BF5;
	[smem:$0x3FBB] =	sst s0  }
0x18: {  	s0 =	sld [smem:$0x3F9E];
	_ =	swait.ge [sflag:s4], $0x0  }
0x19: {  	s7 =	sld [smem:$0x3F9F]  }
0x1a: {  	s8 =	sadd.s32 $0xFFFFE003, lr  }
0x1b: {  	s9 =	sadd.s32 $0xFFFFFEF7, lr;
	s5 =	simm.s32 $0xFFFFFFFF;
	p2 =	slt.u32 s8, $0xFFFFF086  }
0x1c: {  	p1 =	slt.u32 s9, $0xF7A;
	s5 =	simm.s32 @!p2 $0x0  }
0x1d: {  	s5 =	simm.s32 @p1 $0x1;
	p0 =	seq.s32 s7, s2  }
0x1e: {  	s7 =	smul.u32 @!p0 $0xF7A, s2;
	p2 =	seq.s32 @!p0 s5, $0x0  }
0x1f: {  	s9 =	smul.u32 $0xF7A, s1;
	s8 =	simm.s32 @!p0 $0x1BF5;
	p2 =	por !p2, p0  }
0x20: {  	[sflag:s8] =	ssyncset.s32 @!p0 $0xFFFFF086;
	s6 =	sadd.s32 @!p0 s3, s7;
	s7 =	simm.s32 @!p0 $0x108  }
0x21: {  	s3 =	sadd.s32 s3, s9;
	s6 =	sadd.s32 @!p0 $0x88, s6;
	s7 =	simm.s32 @p2 $0x1082  }
0x22: {  	[simem:s7], [sflag:s8] =	dma.local @!p0 [hbm:s6], $0xF7A  }
0x23: {  	s9 =	sor.u32 $0xD0000000, s2;
	s6 =	simm.s32 $0x108;
	_ =	swait.ge @!p0 [sflag:s8], $0x0  }
0x24: {  	s3 =	sadd.s32 $0x88, s3;
	s6 =	simm.s32 @!p1 $0x1082;
	[sflag:s4] =	ssyncset.s32 $0xFFFFF086  }
0x25: {  	[simem:s6], [sflag:s4] =	dma.local [hbm:s3], $0xF7A  }
0x26: {  	[smem:$0x3F9F] =	sst s1;
	(tag) =	ssettag s2;
	_ =	strace s9  }
0x27: {  	s1 =	sld [smem:$0x3FAF]  }
0x28: {  	s2 =	sld [smem:$0x3FB0]  }
0x29: {  	s4 =	sld [smem:$0x3FB2]  }
0x2a: {  	p0 =	seq.s32 s5, $0x0;
	s5 =	sld [smem:$0x3FB3]  }
0x2b: {  	s6 =	sld [smem:$0x3FB4]  }
0x2c: {  	s7 =	sld [smem:$0x3FB5]  }
0x2d: {  	s3 =	simm.s32 $0x108;
	s8 =	sld [smem:$0x3FB6]  }
0x2e: {  	s3 =	simm.s32 @!p0 $0x1082;
	s9 =	sld [smem:$0x3FB7]  }
0x2f: {  	lr =	sadd.s32 s0, s3;
	s0 =	sld [smem:$0x3FAE]  }
0x30: {  	s3 =	sld [smem:$0x3FB1]  }
0x31: {  	[smem:$0x3FBA] =	sst s10  }
0x32: {  	s10 =	sld [smem:$0x3FB8];
	_ =	sdelay $0x3  }
0x33: {  	p0 =	seq.s32 s10, $0x1;
	s10 =	sld [smem:$0x3FBA];
	_ =	sdelay $0x3  }
0x34: {  	[smem:$0x3FBA] =	sst s10  }
0x35: {  	s10 =	sld [smem:$0x3FB9];
	_ =	sdelay $0x3  }
0x36: {  	p1 =	seq.s32 s10, $0x1;
	s10 =	sld [smem:$0x3FBA];
	_ =	sdelay $0x3  }
0x37: {  	[smem:$0x3FBA] =	sst s10  }
0x38: {  	s10 =	sld [smem:$0x3FBB]  }
0x39: {  	_ = 	snop;
	(pc) =	sbr.ind lr, $3  }
0x3a: {  	_ = 	snop  }
0x3b: {  	_ = 	snop  }
0x3c: {  	p2 =	seq.s32 s10, $0x1;
	s10 =	sld [smem:$0x3FBA]  }
0x3d: {  	_ =	shalt  }
0x3e: {  	_ =	shalt  }
0x3f: {  	_ =	shalt  }
0x40: {  	_ =	shalt  }
0x41: {  	_ =	shalt  }
0x42: {  	_ =	shalt  }
0x43: {  	_ =	shalt  }
0x44: {  	_ =	shalt  }
0x45: {  	_ =	shalt  }
0x46: {  	_ =	shalt  }
0x47: {  	_ =	shalt  }
0x48: {  	_ =	shalt  }
0x49: {  	_ =	shalt  }
0x4a: {  	_ =	shalt  }
0x4b: {  	_ =	shalt  }
0x4c: {  	_ =	shalt  }
0x4d: {  	_ =	shalt  }
0x4e: {  	_ =	shalt  }
0x4f: {  	_ =	shalt  }
0x50: {  	_ =	shalt  }
0x51: {  	_ =	shalt  }
0x52: {  	_ =	shalt  }
0x53: {  	_ =	shalt  }
0x54: {  	_ =	shalt  }
0x55: {  	_ =	shalt  }
0x56: {  	_ =	shalt  }
0x57: {  	_ =	shalt  }
0x58: {  	_ =	shalt  }
0x59: {  	_ =	shalt  }
0x5a: {  	_ =	shalt  }
0x5b: {  	_ =	shalt  }
0x5c: {  	_ =	shalt  }
0x5d: {  	_ =	shalt  }
0x5e: {  	_ =	shalt  }
0x5f: {  	_ =	shalt  }
0x60: {  	_ =	shalt  }
0x61: {  	_ =	shalt  }
0x62: {  	_ =	shalt  }
0x63: {  	_ =	shalt  }
0x64: {  	_ =	shalt  }
0x65: {  	_ =	shalt  }
0x66: {  	_ =	shalt  }
0x67: {  	_ =	shalt  }
0x68: {  	_ =	shalt  }
0x69: {  	_ =	shalt  }
0x6a: {  	_ =	shalt  }
0x6b: {  	_ =	shalt  }
0x6c: {  	_ =	shalt  }
0x6d: {  	_ =	shalt  }
0x6e: {  	_ =	shalt  }
0x6f: {  	_ =	shalt  }
0x70: {  	_ =	shalt  }
0x71: {  	_ =	shalt  }
0x72: {  	_ =	shalt  }
0x73: {  	_ =	shalt  }
0x74: {  	_ =	shalt  }
0x75: {  	_ =	shalt  }
0x76: {  	_ =	shalt  }
0x77: {  	_ =	shalt  }
0x78: {  	_ =	shalt  }
0x79: {  	_ =	shalt  }
0x7a: {  	_ =	shalt  }
0x7b: {  	_ =	shalt  }
0x7c: {  	_ =	shalt  }
0x7d: {  	_ =	shalt  }
0x7e: {  	_ =	shalt  }
0x7f: {  	_ =	shalt  }
0x80: {  	_ =	shalt  }
0x81: {  	_ =	shalt  }
0x82: {  	_ =	shalt  }
0x83: {  	_ =	shalt  }
0x84: {  	_ =	shalt  }
0x85: {  	_ =	shalt  }
0x86: {  	_ =	shalt  }
0x87: {  	_ =	shalt  }
.Lfunc_end0:
.L_simem_size_0:
called_computation_lowered:
.L_overlay_start_0:
0x88: {  	s0 =	sld [smem:$0x3FD9]  }
0x89: {  	s1 =	sld [smem:$0x3FFE];
	_ =	sdelay $0x3  }
0x8a: {  	s0 =	sadd.s32 s1, s0  }
0x8b: {  	[smem:$0x3FC6] =	sst s0  }
0x8c: {  	_ = 	snop  }
0x8d: {  	s0 =	sld [smem:$0x3FC8]  }
0x8e: {  	s16 =	sld [smem:$0x3FD0];
	(tm) =	ssettm $0x1  }
0x8f: {  	s2 =	sld [smem:$0x3FFB];
	_ =	sdelay $0x3  }
0x90: {  	_ =	strace s2  }
0x91: {  	s2 =	sld [smem:$0x3FFC];
	_ =	sdelay $0x3  }
0x92: {  	_ =	strace s2  }
0x93: {  	s2 =	sld [smem:$0x3FFD];
	_ =	sdelay $0x3  }
0x94: {  	_ =	strace s2  }
0x95: {  	_ =	strace $0x8FFFFFFF  }
0x96: {  	s17 =	sld [smem:$0x3FDB];
	_ =	sdelay $0x1  }
0x97: {  	s3 =	simm.s32 $_scs_section_size  }
0x98: {  	s4 =	simm.s32 $_size__tile_overlayer_lowered;
	s5 =	simm.s32 $_tile_overlayer_lowered  }
0x99: {  	s20 =	simm.s32 $0x1BFF;
	s19 =	sshll.u32 s5, $0x1;
	s2 =	sadd.s32 s3, s17  }
0x9a: {  	s6 =	simm.s32 $0x0;
	s18 =	sshll.u32 s4, $0x1;
	s4 =	sadd.s32 s19, s2  }
0x9b: {  	[timem:s6], [sflag:s20] =	dma.local [hbm:s4], s18  }
0x9c: {  	_ =	swait.ge [sflag:s20], s18  }
0x9d: {  	s3 =	ssub.s32 $0x0, s18;
	[sflag:s20] =	ssyncset.done $0x0  }
0x9e: {  	[sflag:s20] =	ssyncadd.s32 s3;
	_ =	sdelay $0x1  }
0x9f: {  	s21 =	simm.s32 $0x1B8B  }
0xa0: {  	_ =	swait.ge [sflag:s21], $0x1  }
0xa1: {  	[sflag:s21] =	ssyncset.done $0x0  }
0xa2: {  	s23 =	simm.s32 $0x1B8E;
	s22 =	sld [smem:$0x3FFE];
	[sflag:s21] =	ssyncadd.s32 $0xFFFFFFFF  }
0xa3: {  	s24 =	simm.s32 $execute0_lowered;
	[smem:$0x3FD2] =	sst s23  }
0xa4: {  	s4 =	sshll.u32 s24, $0x1;
	_ =	strace $0x80000046;
	[dreg:$0x1] =	wrdreg $0xFFFFFFFF  }
0xa5: {  	s25 =	simm.s32 $_size_execute0_lowered;
	s2 =	sadd.s32 s2, s4;
	[dreg:$0x0] =	wrdreg $0x0  }
0xa6: {  	s4 =	sshll.u32 s25, $0x1;
	[dreg:$0x2] =	wrdreg s2  }
0xa7: {  	[dreg:$0x3] =	wrdreg s4  }
0xa8: {  	[dreg:$0x4] =	wrdreg $0xC0  }
0xa9: {  	_ =	task [dreg:s6], $0x5FFFF  }
0xaa: {  	[dreg:$0x1] =	wrdreg $0xFFFFFFFF  }
0xab: {  	[dreg:$0x0] =	wrdreg $0x60  }
0xac: {  	[dreg:$0x2] =	wrdreg s0  }
0xad: {  	[dreg:$0x3] =	wrdreg s22  }
0xae: {  	[dreg:$0x4] =	wrdreg s16  }
0xaf: {  	[dreg:$0x5] =	wrdreg $0xC800  }
0xb0: {  	[dreg:$0x6] =	wrdreg $0xCC00  }
0xb1: {  	[dreg:$0x7] =	wrdreg $0x9  }
0xb2: {  	_ =	task.clear_ibuf [dreg:s6], $0x8FFFF;
	_ =	strace $0x90000046  }
0xb3: {  	s26 =	simm.s32 $0x9;
	_ =	strace $0x80000048  }
0xb4: {  	_ =	swait.ge [sflag:s26], $0x1  }
0xb5: {  	[sflag:s26] =	ssyncadd.s32 $0xFFFFFFFF  }
0xb6: {  	_ =	strace $0x90000048  }
0xb7: {  	_ =	sfence  }
0xb8: {  	s28 =	sld [smem:$0x0];
	_ =	sdelay $0x1  }
0xb9: {  	s29 =	srdreg.scid  }
0xba: {  	s30 =	sshll.u32 s29, $0xD;
	s31 =	sshrl.u32 s29, $0x2  }
0xbb: {  	s1 =	sand.u32 $0x1, s29;
	s2 =	sand.u32 $0x4000, s30;
	s0 =	sadd.s32 s31, s28  }
0xbc: {  	s1 =	sor.u32 s2, s1;
	s0 =	sshll.u32 s0, $0x11  }
0xbd: {  	s0 =	sor.u32 s0, s1  }
0xbe: {  	s0 =	sadd.s32 $0x8F2B, s0  }
0xbf: {  	[sflag:s0] =	ssyncadd.remote.s32 $0x1  }
0xc0: {  	_ =	sfence.sel $0xFFFF  }
0xc1: {  	[dreg:$0x0] =	wrdreg $0xFFFFFFFF;
	(pc) =	sbr.abs _section_cstart, $3  }
0xc2: {  	[dreg:$0x1] =	wrdreg $0xFFFFFFFF  }
0xc3: {  	_ =	task.clear_ibuf [dreg:s6], $0x2FFFF;
	_ =	strace $0x9FFFFFFF  }
0xc4: {  	(tm) =	ssettm $0x7FFFFFFF  }
0xc5: {  	_ =	shalt  }
tec
execute0_lowered:
.L_overlay_start_1:
0x0: {  	(tag) =	ssettag $0x1  }
0x1: {  	s5 =	rddreg [dreg:$0x0]  }
0x2: {  	s6 =	rddreg [dreg:$0x1];
	s7 =	stileid.u32  }
0x3: {  	s1 =	rddreg [dreg:$0x2];
	p0 =	sne.s32 s7, $0x0  }
.Ltmp0:
0x4: {  	s3 =	rddreg [dreg:$0x3];
	(pc) =	sbr.rel @p0 .LBB2_2-.Ltmp0, $4  }
0x5: {  	s2 =	rddreg [dreg:$0x4]  }
0x6: {  	s0 =	rddreg [dreg:$0x5];
	s4 =	simm.s32 $0x0;
	s8 =	sshll.u32 s7, $0x7  }
0x7: {  	[smem:$0x7FF] =	sst s4;
	s6 =	sadd.s32 s8, s6  }
0x8: {  	_ =	strace $0x80000047;
	s5 =	sadd.s32 s5, s8;
	s6 =	sadd.s32 $0x800, s6  }
0x9: {  	v0 =	vimm.f32 $0.0e+00  }
0xa: {  	[tilespmem:$0x880] =	vst v0  }
0xb: {  	[tilespmem:$0x890] =	vst v0  }
0xc: {  	[tilespmem:$0x8A0] =	vst v0  }
0xd: {  	[tilespmem:$0x8B0] =	vst v0  }
0xe: {  	[tilespmem:$0x8C0] =	vst v0  }
0xf: {  	[tilespmem:$0x8D0] =	vst v0  }
0x10: {  	[tilespmem:$0x8E0] =	vst v0  }
0x11: {  	[tilespmem:$0x8F0] =	vst v0  }
0x12: {  	[tilespmem:$0x900] =	vst v0  }
0x13: {  	[tilespmem:$0x910] =	vst v0  }
0x14: {  	[tilespmem:$0x920] =	vst v0  }
0x15: {  	[tilespmem:$0x930] =	vst v0  }
0x16: {  	[tilespmem:$0x940] =	vst v0  }
0x17: {  	[tilespmem:$0x950] =	vst v0  }
0x18: {  	[tilespmem:$0x960] =	vst v0  }
0x19: {  	[tilespmem:$0x970] =	vst v0  }
0x1a: {  	[tilespmem:$0x980] =	vst v0  }
0x1b: {  	[tilespmem:$0x990] =	vst v0  }
0x1c: {  	[tilespmem:$0x9A0] =	vst v0  }
0x1d: {  	[tilespmem:$0x9B0] =	vst v0  }
0x1e: {  	[tilespmem:$0x9C0] =	vst v0  }
0x1f: {  	[tilespmem:$0x9D0] =	vst v0  }
0x20: {  	[tilespmem:$0x9E0] =	vst v0  }
0x21: {  	[tilespmem:$0x9F0] =	vst v0  }
0x22: {  	[tilespmem:$0xA00] =	vst v0  }
0x23: {  	[tilespmem:$0xA10] =	vst v0  }
0x24: {  	[tilespmem:$0xA20] =	vst v0  }
0x25: {  	[tilespmem:$0xA30] =	vst v0  }
0x26: {  	[tilespmem:$0xA40] =	vst v0  }
0x27: {  	[tilespmem:$0xA50] =	vst v0  }
0x28: {  	[tilespmem:$0xA60] =	vst v0  }
0x29: {  	[tilespmem:$0xA70] =	vst v0  }
0x2a: {  	[tilespmem:$0xA80] =	vst v0  }
0x2b: {  	[tilespmem:$0xA90] =	vst v0  }
0x2c: {  	[tilespmem:$0xAA0] =	vst v0  }
0x2d: {  	[tilespmem:$0xAB0] =	vst v0  }
0x2e: {  	[tilespmem:$0xAC0] =	vst v0  }
0x2f: {  	[tilespmem:$0xAD0] =	vst v0  }
0x30: {  	[tilespmem:$0xAE0] =	vst v0  }
0x31: {  	[tilespmem:$0xAF0] =	vst v0  }
0x32: {  	[tilespmem:$0xB00] =	vst v0  }
0x33: {  	[tilespmem:$0xB10] =	vst v0  }
0x34: {  	[tilespmem:$0xB20] =	vst v0  }
0x35: {  	[tilespmem:$0xB30] =	vst v0  }
0x36: {  	[tilespmem:$0xB40] =	vst v0  }
0x37: {  	[tilespmem:$0xB50] =	vst v0  }
0x38: {  	[tilespmem:$0xB60] =	vst v0  }
0x39: {  	[tilespmem:$0xB70] =	vst v0  }
0x3a: {  	[tilespmem:$0xB80] =	vst v0  }
0x3b: {  	[tilespmem:$0xB90] =	vst v0  }
0x3c: {  	[tilespmem:$0xBA0] =	vst v0  }
0x3d: {  	[tilespmem:$0xBB0] =	vst v0  }
0x3e: {  	[tilespmem:$0xBC0] =	vst v0  }
0x3f: {  	[tilespmem:$0xBD0] =	vst v0  }
0x40: {  	[tilespmem:$0xBE0] =	vst v0  }
0x41: {  	[tilespmem:$0xBF0] =	vst v0  }
0x42: {  	[tilespmem:$0xC00] =	vst v0  }
0x43: {  	[tilespmem:$0xC10] =	vst v0  }
0x44: {  	[tilespmem:$0xC20] =	vst v0  }
0x45: {  	[tilespmem:$0xC30] =	vst v0  }
0x46: {  	[tilespmem:$0xC40] =	vst v0  }
0x47: {  	[tilespmem:$0xC50] =	vst v0  }
0x48: {  	[tilespmem:$0xC60] =	vst v0  }
0x49: {  	s7 =	simm.s32 $0x880;
	s8 =	simm.s32 $0x1;
	[tilespmem:$0xC70] =	vst v0  }
0x4a: {  	[spmem:s3] =	stream.linear.scatter [tilespmem:s7], [sflag:$0x1], $0x400, $0x38;
	[tilespmem:$0x1580] =	vst v63  }
0x4b: {  	_ =	swait.ge [sflag:s8], $0x400  }
0x4c: {  	[sflag:s8] =	ssyncset.done $0x0  }
0x4d: {  	[sflag:s8] =	ssyncadd.s32 $0xFFFFFC00  }
0x4e: {  	[spmem:s2] =	stream.linear.scatter [tilespmem:s7], [sflag:$0x1], $0x400, $0x38;
	[tilespmem:$0x1580] =	vst v63  }
0x4f: {  	_ =	swait.ge [sflag:s8], $0x400  }
0x50: {  	[sflag:s8] =	ssyncset.done $0x0  }
0x51: {  	[sflag:s8] =	ssyncadd.s32 $0xFFFFFC00  }
.LBB2_2:
0x52: {  	v0 =	vimm.f32 $1.000000000e+00  }
0x53: {  	[tilespmem:$0x800] =	vst v0  }
0x54: {  	[tilespmem:$0x810] =	vst v0  }
0x55: {  	[tilespmem:$0x820] =	vst v0  }
0x56: {  	[tilespmem:$0x830] =	vst v0  }
0x57: {  	[tilespmem:$0x840] =	vst v0  }
0x58: {  	[tilespmem:$0x850] =	vst v0  }
0x59: {  	[tilespmem:$0x860] =	vst v0  }
0x5a: {  	[tilespmem:$0x870] =	vst v0  }
0x5b: {  	[tilespmem:s4], [sflag:$0x1] =	stream.linear.gather [hbm4b:s5+s4], $0x400, $0x38;
	[tilespmem:$0x1580] =	vst v63  }
0x5c: {  	s5 =	simm.s32 $0x1  }
0x5d: {  	_ =	swait.ge [sflag:s5], $0x400  }
0x5e: {  	[sflag:s5] =	ssyncset.done $0x0  }
0x5f: {  	s8 =	simm.s32 $0x400;
	[sflag:s5] =	ssyncadd.s32 $0xFFFFFC00  }
0x60: {  	[tilespmem:s8], [sflag:$0x1] =	stream.linear.gather [hbm4b:s6+s4], $0x400, $0x38;
	[tilespmem:$0x1580] =	vst v63  }
0x61: {  	_ =	swait.ge [sflag:s5], $0x400  }
0x62: {  	[sflag:s5] =	ssyncset.done $0x0  }
0x63: {  	[sflag:s5] =	ssyncadd.s32 $0xFFFFFC00  }
0x64: {  	s17 =	simm.s32 $0x80;
	s7 =	simm.s32 $0x800;
	[bflag:$0x0] =	sbarrier.arrive $0xFFFF  }
0x65: {  	[spmem:s3] =	stream.indirect.scatter.add.f32 [tilespmem:s7], [sflag:$0x1], $0x1, s4, s17, $0xb8;
	[tilespmem:$0x1580] =	vst v63  }
0x66: {  	_ =	swait.ge [sflag:s5], $0x80  }
0x67: {  	[sflag:s5] =	ssyncset.done $0x0  }
0x68: {  	[sflag:s5] =	ssyncadd.s32 $0xFFFFFF80  }
0x69: {  	[spmem:s2] =	stream.indirect.scatter.add.f32 [tilespmem:s8], [sflag:$0x1], $0x1, s4, s17, $0xb8;
	[tilespmem:$0x1580] =	vst v63  }
0x6a: {  	_ =	swait.ge [sflag:s5], $0x80  }
0x6b: {  	[sflag:s5] =	ssyncset.done $0x0  }
0x6c: {  	[sflag:s5] =	ssyncadd.s32 $0xFFFFFF80  }
0x6d: {  	[spmem:s3] =	stream.indirect.scatter.add.f32 [tilespmem:s7], [sflag:$0x1], $0x1, s17, s17, $0xb8;
	[tilespmem:$0x1580] =	vst v63  }
0x6e: {  	_ =	swait.ge [sflag:s5], $0x80  }
0x6f: {  	[sflag:s5] =	ssyncset.done $0x0  }
0x70: {  	s18 =	simm.s32 $0x480;
	[sflag:s5] =	ssyncadd.s32 $0xFFFFFF80  }
0x71: {  	[spmem:s2] =	stream.indirect.scatter.add.f32 [tilespmem:s18], [sflag:$0x1], $0x1, s17, s17, $0xb8;
	[tilespmem:$0x1580] =	vst v63  }
0x72: {  	_ =	swait.ge [sflag:s5], $0x80  }
0x73: {  	[sflag:s5] =	ssyncset.done $0x0  }
0x74: {  	s19 =	simm.s32 $0x100;
	[sflag:s5] =	ssyncadd.s32 $0xFFFFFF80  }
0x75: {  	[spmem:s3] =	stream.indirect.scatter.add.f32 [tilespmem:s7], [sflag:$0x1], $0x1, s19, s17, $0xb8;
	[tilespmem:$0x1580] =	vst v63  }
0x76: {  	_ =	swait.ge [sflag:s5], $0x80  }
0x77: {  	[sflag:s5] =	ssyncset.done $0x0  }
0x78: {  	s20 =	simm.s32 $0x500;
	[sflag:s5] =	ssyncadd.s32 $0xFFFFFF80  }
0x79: {  	[spmem:s2] =	stream.indirect.scatter.add.f32 [tilespmem:s20], [sflag:$0x1], $0x1, s19, s17, $0xb8;
	[tilespmem:$0x1580] =	vst v63  }
0x7a: {  	_ =	swait.ge [sflag:s5], $0x80  }
0x7b: {  	[sflag:s5] =	ssyncset.done $0x0  }
0x7c: {  	s21 =	simm.s32 $0x180;
	[sflag:s5] =	ssyncadd.s32 $0xFFFFFF80  }
0x7d: {  	[spmem:s3] =	stream.indirect.scatter.add.f32 [tilespmem:s7], [sflag:$0x1], $0x1, s21, s17, $0xb8;
	[tilespmem:$0x1580] =	vst v63  }
0x7e: {  	_ =	swait.ge [sflag:s5], $0x80  }
0x7f: {  	[sflag:s5] =	ssyncset.done $0x0  }
0x80: {  	s22 =	simm.s32 $0x580;
	[sflag:s5] =	ssyncadd.s32 $0xFFFFFF80  }
0x81: {  	[spmem:s2] =	stream.indirect.scatter.add.f32 [tilespmem:s22], [sflag:$0x1], $0x1, s21, s17, $0xb8;
	[tilespmem:$0x1580] =	vst v63  }
0x82: {  	_ =	swait.ge [sflag:s5], $0x80  }
0x83: {  	[sflag:s5] =	ssyncset.done $0x0  }
0x84: {  	s23 =	simm.s32 $0x200;
	[sflag:s5] =	ssyncadd.s32 $0xFFFFFF80  }
0x85: {  	[spmem:s3] =	stream.indirect.scatter.add.f32 [tilespmem:s7], [sflag:$0x1], $0x1, s23, s17, $0xb8;
	[tilespmem:$0x1580] =	vst v63  }
0x86: {  	_ =	swait.ge [sflag:s5], $0x80  }
0x87: {  	[sflag:s5] =	ssyncset.done $0x0  }
0x88: {  	s24 =	simm.s32 $0x600;
	[sflag:s5] =	ssyncadd.s32 $0xFFFFFF80  }
0x89: {  	[spmem:s2] =	stream.indirect.scatter.add.f32 [tilespmem:s24], [sflag:$0x1], $0x1, s23, s17, $0xb8;
	[tilespmem:$0x1580] =	vst v63  }
0x8a: {  	_ =	swait.ge [sflag:s5], $0x80  }
0x8b: {  	[sflag:s5] =	ssyncset.done $0x0  }
0x8c: {  	s25 =	simm.s32 $0x280;
	[sflag:s5] =	ssyncadd.s32 $0xFFFFFF80  }
0x8d: {  	[spmem:s3] =	stream.indirect.scatter.add.f32 [tilespmem:s7], [sflag:$0x1], $0x1, s25, s17, $0xb8;
	[tilespmem:$0x1580] =	vst v63  }
0x8e: {  	_ =	swait.ge [sflag:s5], $0x80  }
0x8f: {  	[sflag:s5] =	ssyncset.done $0x0  }
0x90: {  	s26 =	simm.s32 $0x680;
	[sflag:s5] =	ssyncadd.s32 $0xFFFFFF80  }
0x91: {  	[spmem:s2] =	stream.indirect.scatter.add.f32 [tilespmem:s26], [sflag:$0x1], $0x1, s25, s17, $0xb8;
	[tilespmem:$0x1580] =	vst v63  }
0x92: {  	_ =	swait.ge [sflag:s5], $0x80  }
0x93: {  	[sflag:s5] =	ssyncset.done $0x0  }
0x94: {  	s28 =	simm.s32 $0x300;
	[sflag:s5] =	ssyncadd.s32 $0xFFFFFF80  }
0x95: {  	[spmem:s3] =	stream.indirect.scatter.add.f32 [tilespmem:s7], [sflag:$0x1], $0x1, s28, s17, $0xb8;
	[tilespmem:$0x1580] =	vst v63  }
0x96: {  	_ =	swait.ge [sflag:s5], $0x80  }
0x97: {  	[sflag:s5] =	ssyncset.done $0x0  }
0x98: {  	s29 =	simm.s32 $0x700;
	[sflag:s5] =	ssyncadd.s32 $0xFFFFFF80  }
0x99: {  	[spmem:s2] =	stream.indirect.scatter.add.f32 [tilespmem:s29], [sflag:$0x1], $0x1, s28, s17, $0xb8;
	[tilespmem:$0x1580] =	vst v63  }
0x9a: {  	_ =	swait.ge [sflag:s5], $0x80  }
0x9b: {  	[sflag:s5] =	ssyncset.done $0x0  }
0x9c: {  	s30 =	simm.s32 $0x380;
	[sflag:s5] =	ssyncadd.s32 $0xFFFFFF80  }
0x9d: {  	[spmem:s3] =	stream.indirect.scatter.add.f32 [tilespmem:s7], [sflag:$0x1], $0x1, s30, s17, $0xb8;
	[tilespmem:$0x1580] =	vst v63  }
0x9e: {  	_ =	swait.ge [sflag:s5], $0x80  }
0x9f: {  	[sflag:s5] =	ssyncset.done $0x0  }
0xa0: {  	s31 =	simm.s32 $0x780;
	[sflag:s5] =	ssyncadd.s32 $0xFFFFFF80  }
0xa1: {  	[spmem:s2] =	stream.indirect.scatter.add.f32 [tilespmem:s31], [sflag:$0x1], $0x1, s30, s17, $0xb8;
	[tilespmem:$0x1580] =	vst v63  }
0xa2: {  	_ =	swait.ge [sflag:s5], $0x80  }
0xa3: {  	[sflag:s5] =	ssyncset.done $0x0  }
0xa4: {  	[sflag:s5] =	ssyncadd.s32 $0xFFFFFF80  }
0xa5: {  	[bflag:$0x0] =	sbarrier.arrive $0xFFFF  }
0xa6: {  	_ =	sfence.sel @p0 $0x180000  }
0xa7: {  	[bflag:$0x0] =	sbarrier.arrive @p0 $0xFFFF  }
0xa8: {  	_ =	strace @p0 $0x90000047  }
0xa9: {  	[bflag:$0x2] =	sbarrier.arrive @p0 $0xFFFF  }
0xaa: {  	_ =	shalt @p0  }
.LBB2_3:
0xab: {  	s4 =	simm.s32 $0xD00  }
0xac: {  	[tilespmem:s4], [sflag:$0x1] =	stream.linear.gather [spmem:s3], $0x400, $0x38;
	[tilespmem:$0x1580] =	vst v63  }
0xad: {  	_ =	swait.ge [sflag:s5], $0x400  }
0xae: {  	[sflag:s5] =	ssyncset.done $0x0  }
0xaf: {  	s26 =	simm.s32 $0x1100;
	[sflag:s5] =	ssyncadd.s32 $0xFFFFFC00  }
0xb0: {  	[tilespmem:s26], [sflag:$0x1] =	stream.linear.gather [spmem:s2], $0x400, $0x38;
	[tilespmem:$0x1580] =	vst v63  }
0xb1: {  	_ =	swait.ge [sflag:s5], $0x400  }
0xb2: {  	[sflag:s5] =	ssyncset.done $0x0  }
0xb3: {  	s28 =	simm.s32 $0x0;
	[sflag:s5] =	ssyncadd.s32 $0xFFFFFC00  }
0xb4: {  	v1 =	vld [tilespmem:s28+$0xD00];
	_ =	sdelay $0x4  }
0xb5: {  	v0 =	vmax.f32 v1, $1.000000000e+00  }
0xb6: {  	v0 =	vmul.f32 $-1.000050030e-04, v0  }
0xb7: {  	s29 =	simm.s32 $0x10  }
0xb8: {  	v2 =	vld [tilespmem:s29+$0xD00];
	v0 =	vmul.f32 $1.442695020e+00, v0  }
0xb9: {  	s30 =	simm.s32 $0x20  }
0xba: {  	v3 =	vld [tilespmem:s30+$0xD00];
	(erf) = vpow2.f32 v0;
	_ =	sdelay $0x2  }
0xbb: {  	v0 =	vmax.f32 v2, $1.000000000e+00  }
0xbc: {  	v0 =	vmul.f32 $-1.000050030e-04, v0  }
0xbd: {  	v4 =	vmax.f32 v3, $1.000000000e+00  }
0xbe: {  	v4 =	vmul.f32 $-1.000050030e-04, v4;
	v0 =	vmul.f32 $1.442695020e+00, v0;
	_ =	sdelay $0x1  }
0xbf: {  	s31 =	simm.s32 $0x30;
	v4 =	vmul.f32 $1.442695020e+00, v4;
	(erf) = vpow2.f32 v0  }
0xc0: {  	v7 =	vld [tilespmem:s31+$0xD00];
	v5 =	vpop (erf)  }
0xc1: {  	s6 =	simm.s32 $0x40;
	(erf) = vpow2.f32 v4;
	v0 =	vsub.f32 $1.000000000e+00, v5  }
0xc2: {  	v5 =	vld [tilespmem:s6+$0xD00]  }
0xc3: {  	(erf) = vrcp.f32 v0;
	_ =	sdelay $0x1  }
0xc4: {  	v0 =	vmax.f32 v7, $1.000000000e+00  }
0xc5: {  	v0 =	vmul.f32 $-1.000050030e-04, v0  }
0xc6: {  	v4 =	vmax.f32 v5, $1.000000000e+00  }
0xc7: {  	s7 =	simm.s32 $0x50;
	v8 =	vpop (erf);
	v0 =	vmul.f32 $1.442695020e+00, v0;
	v4 =	vmul.f32 $-1.000050030e-04, v4  }
0xc8: {  	v6 =	vld [tilespmem:s7+$0xD00];
	v11 =	vsub.f32 $1.000000000e+00, v8  }
0xc9: {  	v12 =	vld [tilespmem:s28+$0x1100];
	v13 =	vpop (erf);
	(erf) = vpow2.f32 v0;
	v0 =	vmul.f32 $1.442695020e+00, v4  }
0xca: {  	v8 =	vld [tilespmem:s31+$0x1100];
	(erf) = vrcp.f32 v11  }
0xcb: {  	v13 =	vsub.f32 $1.000000000e+00, v13;
	v4 =	vpop (erf);
	(erf) = vpow2.f32 v0;
	v0 =	vld [tilespmem:s7+$0x1100]  }
0xcc: {  	v14 =	vmul.f32 $1.000165940e-04, v4;
	v4 =	vld [tilespmem:s6+$0x1100]  }
0xcd: {  	(erf) = vrcp.f32 v13  }
0xce: {  	v10 =	vld [tilespmem:s29+$0x1100];
	v15 =	vmax.f32 v6, $1.000000000e+00  }
0xcf: {  	s3 =	simm.s32 $0x1C0;
	s2 =	simm.s32 $0x60;
	v9 =	vld [tilespmem:s30+$0x1100];
	v11 =	vimm.f32 $0.0e+00;
	v13 =	vmul.f32 v14, v12;
	v12 =	vimm.f32 $0.0e+00  }
.LBB2_4:
0xd0: {  	v18 =	vmul.f32 $-1.000050030e-04, v15;
	v14 =	vmul.f32 v14, v1;
	v1 =	vmovc v2;
	v2 =	vmovc v3;
	v3 =	vmov v7  }
0xd1: {  	p0 =	sne.s32 s3, $0xFC0;
	v7 =	vmovc v5;
	v5 =	vmovc v6;
	v6 =	vld [tilespmem:s2+$0xD00];
	v16 =	vmov v8;
	v8 =	vmov v4;
	v4 =	vmov v0;
	s4 =	smov.u32 s3;
	s3 =	sadd.s32 $0x40, s3  }
.Ltmp1:
0xd2: {  	v0 =	vld [tilespmem:s2+$0x1100];
	v17 =	vpop (erf);
	v11 =	vadd.f32 v13, v11;
	(pc) =	sbr.rel @p0 .LBB2_4-.Ltmp1, $4  }
0xd3: {  	v13 =	vmul.f32 $1.442695020e+00, v18;
	v17 =	vsub.f32 $1.000000000e+00, v17;
	v15 =	vpop (erf);
	v12 =	vadd.f32 v14, v12  }
0xd4: {  	v14 =	vmul.f32 $1.000165940e-04, v15  }
0xd5: {  	(erf) = vpow2.f32 v13  }
0xd6: {  	s2 =	sshra.s32 s4, $0x2;
	v15 =	vmax.f32 v6, $1.000000000e+00;
	(erf) = vrcp.f32 v17;
	v13 =	vmul.f32 v14, v10;
	v10 =	vmovc v9;
	v9 =	vmovc v16  }
0xd7: {  	v16 =	vld [tilespmem:s2+$0xD00];
	_ =	sdelay $0x3  }
0xd8: {  	v15 =	vmul.f32 $-1.000050030e-04, v15  }
0xd9: {  	v17 =	vmax.f32 v16, $1.000000000e+00  }
0xda: {  	v18 =	vpop (erf);
	v15 =	vmul.f32 $1.442695020e+00, v15;
	v17 =	vmul.f32 $-1.000050030e-04, v17  }
0xdb: {  	v18 =	vsub.f32 $1.000000000e+00, v18  }
0xdc: {  	(erf) = vpow2.f32 v15;
	v57 =	vmul.f32 $1.442695020e+00, v17  }
0xdd: {  	(erf) = vrcp.f32 v18  }
0xde: {  	(erf) = vpow2.f32 v57;
	_ =	sdelay $0x3  }
0xdf: {  	v58 =	vpop (erf)  }
0xe0: {  	v59 =	vpop (erf)  }
0xe1: {  	v17 =	vsub.f32 $1.000000000e+00, v59;
	v60 =	vpop (erf)  }
0xe2: {  	v19 =	vpop (erf)  }
0xe3: {  	(erf) = vrcp.f32 v17;
	v61 =	vsub.f32 $1.000000000e+00, v19;
	v62 =	vpop (erf)  }
0xe4: {  	v63 =	vpop (erf)  }
0xe5: {  	(erf) = vrcp.f32 v61;
	v17 =	vsub.f32 $1.000000000e+00, v63  }
0xe6: {  	v1 =	vmul.f32 v14, v1  }
0xe7: {  	v20 =	vmul.f32 $1.000165940e-04, v58;
	(erf) = vrcp.f32 v17;
	_ =	sdelay $0x1  }
0xe8: {  	v1 =	vadd.f32 v1, v12;
	v2 =	vmul.f32 v20, v2;
	v21 =	vmul.f32 $1.000165940e-04, v60  }
0xe9: {  	v32 =	vimm.s32 $0xFEDCBA98  }
0xea: {  	v1 =	vadd.f32 v2, v1;
	v22 =	vmul.f32 v21, v3;
	v23 =	vmul.f32 $1.000165940e-04, v62  }
0xeb: {  	v33 =	vimm.s32 $0x76543210;
	v37 =	vimm.s32 $0x3210FEDC;
	v38 =	vimm.s32 $0xBA987654;
	v24 =	vpop (erf)  }
0xec: {  	v1 =	vadd.f32 v22, v1;
	v25 =	vmul.f32 v23, v7;
	v26 =	vmul.f32 $1.000165940e-04, v24  }
0xed: {  	v11 =	vadd.f32 v13, v11;
	v34 =	vunpack.c.l.s4.s8 v33;
	v10 =	vmul.f32 v20, v10;
	v27 =	vpop (erf)  }
0xee: {  	v1 =	vadd.f32 v25, v1;
	v28 =	vmul.f32 v26, v5;
	v29 =	vmul.f32 $1.000165940e-04, v27  }
0xef: {  	v12 =	vunpack.c.l.s4.s8 v38;
	v10 =	vadd.f32 v10, v11;
	v11 =	vunpack.c.l.s4.s8 v32;
	v31 =	vpop (erf)  }
0xf0: {  	v1 =	vadd.f32 v28, v1;
	v30 =	vmul.f32 v29, v6;
	v6 =	vmul.f32 $1.000165940e-04, v31  }
0xf1: {  	v36 =	vunpack.c.0.s8.s32 v11;
	v9 =	vmul.f32 v21, v9;
	v3 =	vmul.f32 v23, v8  }
0xf2: {  	v8 =	vunpack.c.0.s8.s32 v34;
	v1 =	vadd.f32 v30, v1;
	v35 =	vmul.f32 v6, v16  }
0xf3: {  	v11 =	vunpack.c.l.s4.s8 v37;
	v9 =	vadd.f32 v9, v10;
	v10 =	vand.u32 $0xF, v36  }
0xf4: {  	v43 =	vimm.s32 $0x10FEDCBA;
	v39 =	vcombine.low v10, v8;
	v1 =	vadd.f32 v35, v1  }
0xf5: {  	v44 =	vimm.s32 $0x98765432;
	v41 =	vunpack.c.0.s8.s32 v12;
	v40 =	vunpack.c.0.s8.s32 v11  }
0xf6: {  	v52 =	vimm.s32 $0xFEDCBA9;
	v53 =	vimm.s32 $0x87654321;
	v42 =	vperm.xlane v1, v39  }
0xf7: {  	v45 =	vld [tilespmem:s2+$0x1100];
	v46 =	vunpack.c.l.s4.s8 v43;
	v47 =	vunpack.c.l.s4.s8 v44;
	v7 =	vcombine.low v41, v40  }
0xf8: {  	v3 =	vadd.f32 v3, v9;
	v4 =	vmul.f32 v26, v4;
	v1 =	vadd.f32 v42, v1  }
0xf9: {  	v49 =	vunpack.c.0.s8.s32 v46;
	v50 =	vunpack.c.0.s8.s32 v47;
	v48 =	vand.u32 $0xF, v7  }
0xfa: {  	v3 =	vadd.f32 v4, v3;
	v0 =	vmul.f32 v29, v0;
	v51 =	vperm.xlane v1, v48  }
0xfb: {  	v54 =	vunpack.c.l.s4.s8 v52;
	v55 =	vunpack.c.l.s4.s8 v53;
	v5 =	vcombine.low v50, v49  }
0xfc: {  	v0 =	vadd.f32 v0, v3;
	v56 =	vmul.f32 v6, v45;
	v1 =	vadd.f32 v51, v1  }
0xfd: {  	v58 =	vunpack.c.0.s8.s32 v55;
	v57 =	vunpack.c.0.s8.s32 v54;
	v5 =	vand.u32 $0xF, v5  }
0xfe: {  	v0 =	vadd.f32 v56, v0;
	v59 =	vperm.xlane v1, v5  }
0xff: {  	v6 =	vcombine.low v58, v57  }
0x100: {  	v2 =	vperm.xlane v0, v39;
	v1 =	vadd.f32 v59, v1  }
0x101: {  	v60 =	vand.u32 $0xF, v6  }
0x102: {  	v0 =	vadd.f32 v2, v0;
	v61 =	vperm.xlane v1, v60;
	_ =	sdelay $0x1  }
0x103: {  	v4 =	vperm.xlane v0, v48;
	v1 =	vadd.f32 v61, v1;
	_ =	sdelay $0x1  }
0x104: {  	v0 =	vadd.f32 v4, v0;
	(erf) = vrcp.f32 v1;
	_ =	sdelay $0x1  }
0x105: {  	v62 =	vperm.xlane v0, v5;
	_ =	sdelay $0x1  }
0x106: {  	v0 =	vadd.f32 v62, v0;
	_ =	sdelay $0x1  }
0x107: {  	v1 =	vperm.xlane v0, v60;
	_ =	sdelay $0x1  }
0x108: {  	v0 =	vadd.f32 v1, v0  }
0x109: {  	v63 =	vpop (erf)  }
0x10a: {  	v0 =	vmul.f32 v63, v0;
	_ =	sdelay $0x1  }
0x10b: {  	s30 =	simm.s32 $0x0;
	s3 =	simm.s32 $0x1500;
	s31 =	simm.s32 $0x1;
	[tilespmem:$0x1500] =	vst v0  }
0x10c: {  	[hbm4b:s1+s30] =	stream.linear.scatter [tilespmem:s3], [sflag:$0x1], $0x80, $0x38;
	[tilespmem:$0x1580] =	vst v63  }
0x10d: {  	_ =	swait.ge [sflag:s31], $0x80  }
0x10e: {  	[sflag:s31] =	ssyncset.done $0x0  }
0x10f: {  	[sflag:s31] =	ssyncadd.s32 $0xFFFFFF80  }
0x110: {  	_ =	sfence.sel $0x180000  }
0x111: {  	[bflag:$0x0] =	sbarrier.arrive $0xFFFF  }
0x112: {  	_ =	strace $0x90000047  }
0x113: {  	s0 =	sadd.s32 $0x100000, s0;
	[bflag:$0x2] =	sbarrier.arrive $0xFFFF  }
0x114: {  	[sflag:s0] =	ssyncadd.tile.s32 $0x1;
	_ =	shalt  }
.Lfunc_end2:
_tile_overlayer_lowered:
.L_overlay_start_2:
0x115: {  	(tag) =	ssettag $0x2  }
0x116: {  	s0 =	rddreg [dreg:$0x0];
	s2 =	stileid.u32  }
0x117: {  	s1 =	rddreg [dreg:$0x1];
	p0 =	sne.s32 s2, $0x0  }
0x118: {  	s3 =	rddreg [dreg:$0x2];
	[bflag:$0x3] =	sbarrier.arrive $0xFFFF;
	s2 =	simm.s32 @!p0 $0x1C01  }
0x119: {  	[timem:s3], [sflag:s2] =	dma.local @!p0 [hbm:s0], s1  }
0x11a: {  	s0 =	simm.s32 @!p0 $0x1  }
0x11b: {  	_ =	swait.ge @!p0 [sflag:s0], s1  }
0x11c: {  	s1 =	ssub.s32 @!p0 $0x0, s1;
	[sflag:s0] =	ssyncset.done @!p0 $0x0  }
0x11d: {  	[sflag:s0] =	ssyncadd.s32 @!p0 s1  }
0x11e: {  	[bflag:$0x3] =	sbarrier.arrive $0xFFFF  }
0x11f: {  	_ =	shalt  }

</sc_bundles>
